<compile_context>
chip_gen: v7x
topology: tpu7x:2x2x1
jax: 0.10.2.dev20260603
libtpu: 0.0.44.dev20260713+nightly
codegen_flags: <defaults>
</compile_context>

<pallas_src>
import functools

import jax
import jax.numpy as jnp
from jax import lax
from jax.experimental import pallas as pl
from jax.experimental.pallas import tpu as pltpu
from jax.experimental.pallas import tpu_sc as plsc

D = 128
HW = 80
N_IND = 10000
N_ATT = 1000
OFF_OCC = 10240
OFF_RES = 11264
NROWS = 12288
DUMMY = 12280
NC, NS = 2, 16
CH = 80
E_TOT = 320000 + 10000 + 10000
E_PT = 21280
NCHUNK = E_PT // CH
E_PAD = E_PT * NS
ROWS_PT = NROWS // NS



def _segsum_body(tables, srcs, dsts, zeros96, sums_out,
                 src_v, dst_v, rows_v, zero_v, sg0, sg1, ss0, ss1, acc):
    cid = lax.axis_index("c")
    sid = lax.axis_index("s")
    sg = (sg0, sg1)
    ss = (ss0, ss1)
    table = tables.at[cid]

    pltpu.sync_copy(zeros96, zero_v)
    pltpu.sync_copy(srcs.at[sid], src_v)
    pltpu.sync_copy(dsts.at[sid], dst_v)
    for t in range(ROWS_PT // 96):
        pltpu.sync_copy(zero_v, acc.at[pl.ds(sid * ROWS_PT + t * 96, 96)])
    plsc.subcore_barrier()

    def start_g(j, b):
        pltpu.async_copy(table.at[src_v.at[j]], rows_v.at[b], sg[b])

    def wait_g(b):
        pltpu.make_async_copy(table.at[src_v.at[0]], rows_v.at[b], sg[b]).wait()

    def start_s(j, b):
        pltpu.async_copy(rows_v.at[b], acc.at[dst_v.at[j]], ss[b], add=True)

    def wait_s(b):
        pltpu.make_async_copy(rows_v.at[b], acc.at[dst_v.at[0]], ss[b]).wait()

    start_g(0, 0)
    start_g(1, 1)

    @pl.loop(0, NCHUNK, step=2)
    def _(j0):
        for b in (0, 1):
            j = j0 + b
            wait_g(b)
            start_s(j, b)

            @pl.when(j + 2 < NCHUNK)
            def _():
                wait_s(b)
                start_g(j + 2, b)

    wait_s(0)
    wait_s(1)

    plsc.subcore_barrier()
    pltpu.sync_copy(acc.at[pl.ds(sid * ROWS_PT, ROWS_PT)],
                    sums_out.at[cid, pl.ds(sid * ROWS_PT, ROWS_PT)])


def _segsum_sc(tables, srcs, dsts, zeros96, interpret=False):
    return pl.kernel(
        _segsum_body,
        out_type=jax.ShapeDtypeStruct((NC, NROWS, HW), jnp.float32),
        mesh=plsc.VectorSubcoreMesh(core_axis_name="c", subcore_axis_name="s",
                                    num_cores=NC, num_subcores=NS),
        scratch_types=[
            pltpu.VMEM((NCHUNK, CH), jnp.int32),
            pltpu.VMEM((NCHUNK, CH), jnp.int32),
            pltpu.VMEM((2, CH, HW), jnp.float32),
            pltpu.VMEM((96, HW), jnp.float32),
            pltpu.SemaphoreType.DMA,
            pltpu.SemaphoreType.DMA,
            pltpu.SemaphoreType.DMA,
            pltpu.SemaphoreType.DMA,
            pltpu.VMEM_SHARED((NROWS, HW), jnp.float32),
        ],
        compiler_params=pltpu.CompilerParams(use_tc_tiling_on_sc=False),
        interpret=interpret,
    )(tables, srcs, dsts, zeros96)



def _dense_layer(sums, xs, Wl3, Wr3, bl3, relu, interpret=False):
    nblk = NROWS // 1024

    def body(s_ref, x_ref, wl_ref, wr_ref, bl_ref, o_ref):
        s0 = s_ref[0]
        s1 = s_ref[1]
        inv = 1.0 / jnp.maximum(s0[:, 64:65], 1.0)
        wl = wl_ref[0]
        out = jnp.dot(s0[:, :64] * inv, wl[:64],
                      preferred_element_type=jnp.float32)
        out += jnp.dot(s1[:, :64] * inv, wl[64:],
                       preferred_element_type=jnp.float32)
        out += bl_ref[0]
        out += jnp.dot(x_ref[...], wr_ref[0],
                       preferred_element_type=jnp.float32)
        if relu:
            out = jnp.maximum(out, 0.0)
        o_ref[...] = out

    wsel = lambda j: jnp.maximum(j - (nblk - 3), 0)
    return pl.pallas_call(
        body,
        grid=(nblk,),
        in_specs=[
            pl.BlockSpec((2, 1024, HW), lambda j: (0, j, 0)),
            pl.BlockSpec((1024, D), lambda j: (j, 0)),
            pl.BlockSpec((1, D, D), lambda j: (wsel(j), 0, 0)),
            pl.BlockSpec((1, D, D), lambda j: (wsel(j), 0, 0)),
            pl.BlockSpec((1, 1, D), lambda j: (wsel(j), 0, 0)),
        ],
        out_specs=pl.BlockSpec((1024, D), lambda j: (j, 0)),
        out_shape=jax.ShapeDtypeStruct((NROWS, D), jnp.float32),
        interpret=interpret,
    )(sums, xs, Wl3, Wr3, bl3)


def _fixup(v, pop_row, ea_k, P, Wa_top, Wa_bot, ba_row, interpret=False):
    B = pop_row.shape[1]
    nj = B // 512

    def body(v_ref, pop_ref, ea_ref, p_ref, wt_ref, wb_ref, ba_ref,
             o_ref, last_s, acc_s):
        s = pl.program_id(0)

        @pl.when(s < nj)
        def _():
            popc = pop_ref[...]
            rowp = lax.broadcasted_iota(jnp.int32, (1024, 1), 0)
            eq = popc == rowp
            bi = lax.broadcasted_iota(jnp.int32, (1024, 512), 1) + s * 512
            chunk = jnp.max(jnp.where(eq, bi, -1), axis=1, keepdims=True)
            prev = jnp.where(s == 0, jnp.full((1024, 1), -1, jnp.int32),
                             last_s[...])
            last_s[...] = jnp.maximum(prev, chunk)

        @pl.when(s >= nj)
        def _():
            j = s - nj
            Bm = jnp.dot(p_ref[...], wb_ref[...],
                         preferred_element_type=jnp.float32)
            eaB = jnp.dot(ea_ref[...], Bm,
                          preferred_element_type=jnp.float32)
            bi = lax.broadcasted_iota(jnp.int32, (1024, 512), 1) + j * 512
            sel = (last_s[...] == bi).astype(jnp.float32)
            contrib = jnp.dot(sel, eaB, preferred_element_type=jnp.float32)
            acc = jnp.where(j == 0, jnp.zeros_like(contrib),
                            acc_s[...]) + contrib
            acc_s[...] = acc

            @pl.when(s == 2 * nj - 1)
            def _():
                A = jnp.dot(p_ref[...], wt_ref[...],
                            preferred_element_type=jnp.float32)
                vv = v_ref[...]
                upd = (jnp.dot(vv, A, preferred_element_type=jnp.float32)
                       + acc + ba_ref[0])
                o_ref[...] = jnp.where(last_s[...] >= 0, upd, vv)

    return pl.pallas_call(
        body,
        grid=(2 * nj,),
        in_specs=[
            pl.BlockSpec((1024, D), lambda s: (0, 0)),
            pl.BlockSpec((1, 512), lambda s: (0, lax.rem(s, nj))),
            pl.BlockSpec((512, D), lambda s: (jnp.maximum(s - nj, 0), 0)),
            pl.BlockSpec((D, D), lambda s: (0, 0)),
            pl.BlockSpec((D, D), lambda s: (0, 0)),
            pl.BlockSpec((D, D), lambda s: (0, 0)),
            pl.BlockSpec((1, D), lambda s: (0, 0)),
        ],
        out_specs=pl.BlockSpec((1024, D), lambda s: (0, 0)),
        out_shape=jax.ShapeDtypeStruct((1024, D), jnp.float32),
        scratch_shapes=[pltpu.VMEM((1024, 1), jnp.int32),
                        pltpu.VMEM((1024, D), jnp.float32)],
        interpret=interpret,
    )(v, pop_row, ea_k, P, Wa_top, Wa_bot, ba_row)



def _halves(x_stack):
    th = jnp.zeros((NC, NROWS, HW), jnp.float32)
    th = th.at[0, :, :64].set(x_stack[:, :64])
    th = th.at[1, :, :64].set(x_stack[:, 64:])
    th = th.at[:, :, 64].set(1.0)
    return th


def _run(x_individuals, x_occupation, x_residence, edge_index_family,
         edge_index_occupation, edge_index_residence, population,
         edge_attributes, Wl_dir_occ, bl_dir_occ, Wr_dir_occ, Wl_dir_res,
         bl_dir_res, Wr_dir_res, Wl_msg, bl_msg, Wr_msg, Wl_inv_occ,
         bl_inv_occ, Wr_inv_occ, Wl_inv_res, bl_inv_res, Wr_inv_res,
         Wl_inv_ind, bl_inv_ind, Wr_inv_ind, P_occ, P_res, W_aggr, b_aggr,
         sc_interpret=False, tc_interpret=False):
    f32, i32 = jnp.float32, jnp.int32
    ei_fam = edge_index_family.astype(i32)
    ei_occ = edge_index_occupation.astype(i32)
    ei_res = edge_index_residence.astype(i32)

    npad = E_PAD - E_TOT
    src1 = jnp.concatenate([ei_fam[1], ei_occ[0], ei_res[0],
                            jnp.zeros((npad,), i32)])
    dst_att = jnp.concatenate([ei_occ[1] + OFF_OCC, ei_res[1] + OFF_RES,
                               jnp.full((npad,), DUMMY, i32)])
    dst1 = jnp.concatenate([ei_fam[0], dst_att])
    src2 = jnp.concatenate([ei_fam[0], ei_occ[0], ei_res[0],
                            jnp.zeros((npad,), i32)])
    dst2 = jnp.concatenate([ei_fam[1], dst_att])
    srcs1 = src1.reshape(NS, NCHUNK, CH)
    dsts1 = dst1.reshape(NS, NCHUNK, CH)
    srcs2 = src2.reshape(NS, NCHUNK, CH)
    dsts2 = dst2.reshape(NS, NCHUNK, CH)
    zeros96 = jnp.zeros((96, HW), f32)

    xs = jnp.zeros((NROWS, D), f32)
    xs = lax.dynamic_update_slice(xs, x_individuals, (0, 0))
    xs = lax.dynamic_update_slice(xs, x_occupation, (OFF_OCC, 0))
    xs = lax.dynamic_update_slice(xs, x_residence, (OFF_RES, 0))

    Wl3a = jnp.stack([Wl_msg, Wl_dir_occ, Wl_dir_res])
    Wr3a = jnp.stack([Wr_msg, Wr_dir_occ, Wr_dir_res])
    bl3a = jnp.stack([bl_msg, bl_dir_occ, bl_dir_res])[:, None, :]
    Wl3b = jnp.stack([Wl_inv_ind, Wl_inv_occ, Wl_inv_res])
    Wr3b = jnp.stack([Wr_inv_ind, Wr_inv_occ, Wr_inv_res])
    bl3b = jnp.stack([bl_inv_ind, bl_inv_occ, bl_inv_res])[:, None, :]

    sums1 = _segsum_sc(_halves(xs), srcs1, dsts1, zeros96,
                       interpret=sc_interpret)
    x2 = _dense_layer(sums1, xs, Wl3a, Wr3a, bl3a, relu=True,
                      interpret=tc_interpret)

    sums2 = _segsum_sc(_halves(x2), srcs2, dsts2, zeros96,
                       interpret=sc_interpret)
    y2 = _dense_layer(sums2, x2, Wl3b, Wr3b, bl3b, relu=False,
                      interpret=tc_interpret)

    pop_row = population.astype(i32).reshape(1, -1)
    Wa_top, Wa_bot = W_aggr[:D], W_aggr[D:]
    ba_row = b_aggr.reshape(1, D)
    occ2 = _fixup(y2[OFF_OCC:OFF_OCC + 1024], pop_row,
                  edge_attributes[:, 0, :], P_occ, Wa_top, Wa_bot, ba_row,
                  interpret=tc_interpret)
    res2 = _fixup(y2[OFF_RES:OFF_RES + 1024], pop_row,
                  edge_attributes[:, 1, :], P_res, Wa_top, Wa_bot, ba_row,
                  interpret=tc_interpret)

    return (y2[:N_IND], occ2[:N_ATT], res2[:N_ATT])


def kernel(x_individuals, x_occupation, x_residence, edge_index_family,
           edge_index_occupation, edge_index_residence, population,
           edge_attributes, Wl_dir_occ, bl_dir_occ, Wr_dir_occ, Wl_dir_res,
           bl_dir_res, Wr_dir_res, Wl_msg, bl_msg, Wr_msg, Wl_inv_occ,
           bl_inv_occ, Wr_inv_occ, Wl_inv_res, bl_inv_res, Wr_inv_res,
           Wl_inv_ind, bl_inv_ind, Wr_inv_ind, P_occ, P_res, W_aggr, b_aggr):
    return _run(x_individuals, x_occupation, x_residence, edge_index_family,
                edge_index_occupation, edge_index_residence, population,
                edge_attributes, Wl_dir_occ, bl_dir_occ, Wr_dir_occ,
                Wl_dir_res, bl_dir_res, Wr_dir_res, Wl_msg, bl_msg, Wr_msg,
                Wl_inv_occ, bl_inv_occ, Wr_inv_occ, Wl_inv_res, bl_inv_res,
                Wr_inv_res, Wl_inv_ind, bl_inv_ind, Wr_inv_ind, P_occ, P_res,
                W_aggr, b_aggr)

# --- scband reference (transcript-rebuilt; emitter-appended) ---
"""Pipeline reference for scband-family-attribute-gnn-43284680409243 (READ-ONLY COPY).

The authoritative reference and input builder live on the scoring server;
editing this copy changes nothing except your own understanding.
"""

import jax, jax.numpy as jnp
import numpy as np

D = 128
N_IND = 10000
N_ATT = 1000
E_FAM = 320000
E_ATT = 10000
B = 4096

def _mean_agg(msgs, idx, n):
    sums = jnp.zeros((n, msgs.shape[1]), msgs.dtype).at[idx].add(msgs)
    cnt = jnp.zeros((n,), msgs.dtype).at[idx].add(1.0)
    return sums / jnp.clip(cnt, 1.0)[:, None]

def _sage(x_src, x_dst, ei, Wl, bl, Wr, flow):
    if flow == 's2t':
        mean = _mean_agg(x_src[ei[0]], ei[1], x_dst.shape[0])
        x_i = x_dst
    else:
        mean = _mean_agg(x_dst[ei[1]], ei[0], x_src.shape[0])
        x_i = x_src
    return mean @ Wl + bl + x_i @ Wr

def setup_inputs(seed: int = 0):
    key = jax.random.key(seed)
    ks = [jax.random.fold_in(key, i) for i in range(40)]
    w = lambda k, s: jax.random.normal(k, s, jnp.float32) * 0.05
    inp = {}
    inp['x_individuals'] = jax.random.normal(ks[0], (N_IND, D), jnp.float32)
    inp['x_occupation'] = jax.random.normal(ks[1], (N_ATT, D), jnp.float32)
    inp['x_residence'] = jax.random.normal(ks[2], (N_ATT, D), jnp.float32)
    inp['edge_index_family'] = jax.random.randint(ks[3], (2, E_FAM), 0, N_IND)
    inp['edge_index_occupation'] = jax.random.randint(ks[4], (2, E_ATT), 0, N_ATT)
    inp['edge_index_residence'] = jax.random.randint(ks[5], (2, E_ATT), 0, N_ATT)
    inp['population'] = jax.random.randint(ks[6], (B,), 0, N_ATT)
    inp['edge_attributes'] = jax.random.normal(ks[7], (B, 2, D), jnp.float32)
    names = ['dir_occ', 'dir_res', 'msg', 'inv_occ', 'inv_res', 'inv_ind']
    for i, nm in enumerate(names):
        inp['Wl_' + nm] = w(ks[8 + 3 * i], (D, D))
        inp['bl_' + nm] = jnp.zeros((D,), jnp.float32)
        inp['Wr_' + nm] = w(ks[9 + 3 * i], (D, D))
    inp['P_occ'] = w(ks[30], (D, D))
    inp['P_res'] = w(ks[31], (D, D))
    inp['W_aggr'] = w(ks[32], (2 * D, D))
    inp['b_aggr'] = jnp.zeros((D,), jnp.float32)
    return inp

def reference(x_individuals, x_occupation, x_residence, edge_index_family, edge_index_occupation, edge_index_residence, population, edge_attributes, Wl_dir_occ, bl_dir_occ, Wr_dir_occ, Wl_dir_res, bl_dir_res, Wr_dir_res, Wl_msg, bl_msg, Wr_msg, Wl_inv_occ, bl_inv_occ, Wr_inv_occ, Wl_inv_res, bl_inv_res, Wr_inv_res, Wl_inv_ind, bl_inv_ind, Wr_inv_ind, P_occ, P_res, W_aggr, b_aggr):
    occ1 = jax.nn.relu(_sage(x_individuals, x_occupation, edge_index_occupation, Wl_dir_occ, bl_dir_occ, Wr_dir_occ, 's2t'))
    res1 = jax.nn.relu(_sage(x_individuals, x_residence, edge_index_residence, Wl_dir_res, bl_dir_res, Wr_dir_res, 's2t'))
    ind1 = jax.nn.relu(_sage(x_individuals, x_individuals, edge_index_family, Wl_msg, bl_msg, Wr_msg, 't2s'))
    occ2 = _sage(ind1, occ1, edge_index_occupation, Wl_inv_occ, bl_inv_occ, Wr_inv_occ, 's2t')
    res2 = _sage(ind1, res1, edge_index_residence, Wl_inv_res, bl_inv_res, Wr_inv_res, 's2t')
    ind2 = _sage(ind1, ind1, edge_index_family, Wl_inv_ind, bl_inv_ind, Wr_inv_ind, 's2t')
    esp = edge_attributes[:, 0, :] @ P_occ
    ai = occ2[population] @ P_occ
    occ2 = occ2.at[population].set(jnp.concatenate([ai, esp], axis=1) @ W_aggr + b_aggr)
    esp = edge_attributes[:, 1, :] @ P_res
    ai = res2[population] @ P_res
    res2 = res2.at[population].set(jnp.concatenate([ai, esp], axis=1) @ W_aggr + b_aggr)
    return (ind2, occ2, res2)

if __name__ == "__main__":
    import jax
    _d = setup_inputs()
    print(jax.jit(kernel)(*tuple(_d.values())))

</pallas_src>

<mosaic_0001>
#map = affine_map<(d0, d1) -> (0, 0, 0)>
#map1 = affine_map<(d0, d1) -> (0, 0)>
module attributes {stable_mosaic.version = 14 : i64} {
  func.func @_segsum_body(%arg0: i32, %arg1: i32, %arg2: memref<2x12288x80xf32, #tpu.memory_space<hbm>>, %arg3: memref<16x266x80xi32, #tpu.memory_space<hbm>>, %arg4: memref<16x266x80xi32, #tpu.memory_space<hbm>>, %arg5: memref<96x80xf32, #tpu.memory_space<hbm>>, %arg6: memref<2x12288x80xf32, #tpu.memory_space<hbm>>, %arg7: memref<266x80xi32, #tpu.memory_space<vmem>>, %arg8: memref<266x80xi32, #tpu.memory_space<vmem>>, %arg9: memref<2x80x80xf32, #tpu.memory_space<vmem>>, %arg10: memref<96x80xf32, #tpu.memory_space<vmem>>, %arg11: memref<!tpu.dma_semaphore, #tpu.memory_space<semaphore_mem>>, %arg12: memref<!tpu.dma_semaphore, #tpu.memory_space<semaphore_mem>>, %arg13: memref<!tpu.dma_semaphore, #tpu.memory_space<semaphore_mem>>, %arg14: memref<!tpu.dma_semaphore, #tpu.memory_space<semaphore_mem>>, %arg15: memref<12288x80xf32, #tpu.memory_space<vmem_shared>>) attributes {dimension_semantics = [#tpu.dimension_semantics<core_parallel>, #tpu.dimension_semantics<subcore_parallel>], iteration_bounds = array<i64: 2, 16>, scalar_prefetch = 0 : i64, scratch_operands = 9 : i64, tpu.core_type = #tpu.core_type<sc_vector_subcore>, window_params = [{transform_indices = #map}, {transform_indices = #map}, {transform_indices = #map}, {transform_indices = #map1}, {transform_indices = #map}]} {
    "tpu.region"() ({
      %run_scoped3A = tpu.sem_alloc : memref<!tpu.dma_semaphore, #tpu.memory_space<semaphore_mem>>
      tpu.enqueue_dma source(%arg5 : memref<96x80xf32, #tpu.memory_space<hbm>>) target(%arg10 : memref<96x80xf32, #tpu.memory_space<vmem>>) target_semaphore(%run_scoped3A : memref<!tpu.dma_semaphore, #tpu.memory_space<semaphore_mem>>)
      tpu.wait_dma2 semaphore(%run_scoped3A : memref<!tpu.dma_semaphore, #tpu.memory_space<semaphore_mem>>) src(%arg5 : memref<96x80xf32, #tpu.memory_space<hbm>>) dst(%arg10 : memref<96x80xf32, #tpu.memory_space<vmem>>)
      tpu.yield
    }) : () -> ()
    "tpu.region"() ({
      %run_scoped3A = tpu.sem_alloc : memref<!tpu.dma_semaphore, #tpu.memory_space<semaphore_mem>>
      %dma_start3A_93 = arith.constant 0 : i32
      %dma_start3A_94 = arith.constant 0 : i32
      %dma_start3A_95 = tpu.memref_slice %arg3[%arg1, %dma_start3A_93, %dma_start3A_94] : memref<16x266x80xi32, #tpu.memory_space<hbm>> -> memref<1x266x80xi32, #tpu.memory_space<hbm>>
      %dma_start3A_96 = tpu.memref_squeeze %dma_start3A_95 : memref<1x266x80xi32, #tpu.memory_space<hbm>> -> memref<266x80xi32, #tpu.memory_space<hbm>>
      %dma_start3A_97 = arith.constant 0 : i32
      %dma_start3A_98 = arith.constant 0 : i32
      %dma_start3A_99 = tpu.memref_slice %arg3[%arg1, %dma_start3A_97, %dma_start3A_98] : memref<16x266x80xi32, #tpu.memory_space<hbm>> -> memref<1x266x80xi32, #tpu.memory_space<hbm>>
      %dma_start3A_100 = tpu.memref_squeeze %dma_start3A_99 : memref<1x266x80xi32, #tpu.memory_space<hbm>> -> memref<266x80xi32, #tpu.memory_space<hbm>>
      tpu.enqueue_dma source(%dma_start3A_100 : memref<266x80xi32, #tpu.memory_space<hbm>>) target(%arg7 : memref<266x80xi32, #tpu.memory_space<vmem>>) target_semaphore(%run_scoped3A : memref<!tpu.dma_semaphore, #tpu.memory_space<semaphore_mem>>)
      %dma_wait3A_101 = arith.constant 0 : i32
      %dma_wait3A_102 = arith.constant 0 : i32
      %dma_wait3A_103 = tpu.memref_slice %arg3[%arg1, %dma_wait3A_101, %dma_wait3A_102] : memref<16x266x80xi32, #tpu.memory_space<hbm>> -> memref<1x266x80xi32, #tpu.memory_space<hbm>>
      %dma_wait3A_104 = tpu.memref_squeeze %dma_wait3A_103 : memref<1x266x80xi32, #tpu.memory_space<hbm>> -> memref<266x80xi32, #tpu.memory_space<hbm>>
      %dma_wait3A_105 = arith.constant 0 : i32
      %dma_wait3A_106 = arith.constant 0 : i32
      %dma_wait3A_107 = tpu.memref_slice %arg3[%arg1, %dma_wait3A_105, %dma_wait3A_106] : memref<16x266x80xi32, #tpu.memory_space<hbm>> -> memref<1x266x80xi32, #tpu.memory_space<hbm>>
      %dma_wait3A_108 = tpu.memref_squeeze %dma_wait3A_107 : memref<1x266x80xi32, #tpu.memory_space<hbm>> -> memref<266x80xi32, #tpu.memory_space<hbm>>
      tpu.wait_dma2 semaphore(%run_scoped3A : memref<!tpu.dma_semaphore, #tpu.memory_space<semaphore_mem>>) src(%dma_wait3A_108 : memref<266x80xi32, #tpu.memory_space<hbm>>) dst(%arg7 : memref<266x80xi32, #tpu.memory_space<vmem>>)
      tpu.yield
    }) : () -> ()
    "tpu.region"() ({
      %run_scoped3A = tpu.sem_alloc : memref<!tpu.dma_semaphore, #tpu.memory_space<semaphore_mem>>
      %dma_start3A_93 = arith.constant 0 : i32
      %dma_start3A_94 = arith.constant 0 : i32
      %dma_start3A_95 = tpu.memref_slice %arg4[%arg1, %dma_start3A_93, %dma_start3A_94] : memref<16x266x80xi32, #tpu.memory_space<hbm>> -> memref<1x266x80xi32, #tpu.memory_space<hbm>>
      %dma_start3A_96 = tpu.memref_squeeze %dma_start3A_95 : memref<1x266x80xi32, #tpu.memory_space<hbm>> -> memref<266x80xi32, #tpu.memory_space<hbm>>
      %dma_start3A_97 = arith.constant 0 : i32
      %dma_start3A_98 = arith.constant 0 : i32
      %dma_start3A_99 = tpu.memref_slice %arg4[%arg1, %dma_start3A_97, %dma_start3A_98] : memref<16x266x80xi32, #tpu.memory_space<hbm>> -> memref<1x266x80xi32, #tpu.memory_space<hbm>>
      %dma_start3A_100 = tpu.memref_squeeze %dma_start3A_99 : memref<1x266x80xi32, #tpu.memory_space<hbm>> -> memref<266x80xi32, #tpu.memory_space<hbm>>
      tpu.enqueue_dma source(%dma_start3A_100 : memref<266x80xi32, #tpu.memory_space<hbm>>) target(%arg8 : memref<266x80xi32, #tpu.memory_space<vmem>>) target_semaphore(%run_scoped3A : memref<!tpu.dma_semaphore, #tpu.memory_space<semaphore_mem>>)
      %dma_wait3A_101 = arith.constant 0 : i32
      %dma_wait3A_102 = arith.constant 0 : i32
      %dma_wait3A_103 = tpu.memref_slice %arg4[%arg1, %dma_wait3A_101, %dma_wait3A_102] : memref<16x266x80xi32, #tpu.memory_space<hbm>> -> memref<1x266x80xi32, #tpu.memory_space<hbm>>
      %dma_wait3A_104 = tpu.memref_squeeze %dma_wait3A_103 : memref<1x266x80xi32, #tpu.memory_space<hbm>> -> memref<266x80xi32, #tpu.memory_space<hbm>>
      %dma_wait3A_105 = arith.constant 0 : i32
      %dma_wait3A_106 = arith.constant 0 : i32
      %dma_wait3A_107 = tpu.memref_slice %arg4[%arg1, %dma_wait3A_105, %dma_wait3A_106] : memref<16x266x80xi32, #tpu.memory_space<hbm>> -> memref<1x266x80xi32, #tpu.memory_space<hbm>>
      %dma_wait3A_108 = tpu.memref_squeeze %dma_wait3A_107 : memref<1x266x80xi32, #tpu.memory_space<hbm>> -> memref<266x80xi32, #tpu.memory_space<hbm>>
      tpu.wait_dma2 semaphore(%run_scoped3A : memref<!tpu.dma_semaphore, #tpu.memory_space<semaphore_mem>>) src(%dma_wait3A_108 : memref<266x80xi32, #tpu.memory_space<hbm>>) dst(%arg8 : memref<266x80xi32, #tpu.memory_space<vmem>>)
      tpu.yield
    }) : () -> ()
    %mul3A = arith.constant 768 : i32
    %mul3A_0 = arith.muli %arg1, %mul3A : i32
    %add3A = arith.constant 0 : i32
    %add3A_1 = arith.addi %mul3A_0, %add3A : i32
    "tpu.region"() ({
      %run_scoped3A = tpu.sem_alloc : memref<!tpu.dma_semaphore, #tpu.memory_space<semaphore_mem>>
      %dma_start3A_93 = arith.constant 0 : i32
      %dma_start3A_94 = tpu.memref_slice %arg15[%add3A_1, %dma_start3A_93] : memref<12288x80xf32, #tpu.memory_space<vmem_shared>> -> memref<96x80xf32, #tpu.memory_space<vmem_shared>>
      %dma_start3A_95 = arith.constant 0 : i32
      %dma_start3A_96 = tpu.memref_slice %arg15[%add3A_1, %dma_start3A_95] : memref<12288x80xf32, #tpu.memory_space<vmem_shared>> -> memref<96x80xf32, #tpu.memory_space<vmem_shared>>
      tpu.enqueue_dma source(%arg10 : memref<96x80xf32, #tpu.memory_space<vmem>>) target(%dma_start3A_96 : memref<96x80xf32, #tpu.memory_space<vmem_shared>>) target_semaphore(%run_scoped3A : memref<!tpu.dma_semaphore, #tpu.memory_space<semaphore_mem>>)
      %dma_wait3A_97 = arith.constant 0 : i32
      %dma_wait3A_98 = tpu.memref_slice %arg15[%add3A_1, %dma_wait3A_97] : memref<12288x80xf32, #tpu.memory_space<vmem_shared>> -> memref<96x80xf32, #tpu.memory_space<vmem_shared>>
      %dma_wait3A_99 = arith.constant 0 : i32
      %dma_wait3A_100 = tpu.memref_slice %arg15[%add3A_1, %dma_wait3A_99] : memref<12288x80xf32, #tpu.memory_space<vmem_shared>> -> memref<96x80xf32, #tpu.memory_space<vmem_shared>>
      tpu.wait_dma2 semaphore(%run_scoped3A : memref<!tpu.dma_semaphore, #tpu.memory_space<semaphore_mem>>) src(%arg10 : memref<96x80xf32, #tpu.memory_space<vmem>>) dst(%dma_wait3A_100 : memref<96x80xf32, #tpu.memory_space<vmem_shared>>)
      tpu.yield
    }) : () -> ()
    %mul3A_2 = arith.constant 768 : i32
    %mul3A_3 = arith.muli %arg1, %mul3A_2 : i32
    %add3A_4 = arith.constant 96 : i32
    %add3A_5 = arith.addi %mul3A_3, %add3A_4 : i32
    "tpu.region"() ({
      %run_scoped3A = tpu.sem_alloc : memref<!tpu.dma_semaphore, #tpu.memory_space<semaphore_mem>>
      %dma_start3A_93 = arith.constant 0 : i32
      %dma_start3A_94 = tpu.memref_slice %arg15[%add3A_5, %dma_start3A_93] : memref<12288x80xf32, #tpu.memory_space<vmem_shared>> -> memref<96x80xf32, #tpu.memory_space<vmem_shared>>
      %dma_start3A_95 = arith.constant 0 : i32
      %dma_start3A_96 = tpu.memref_slice %arg15[%add3A_5, %dma_start3A_95] : memref<12288x80xf32, #tpu.memory_space<vmem_shared>> -> memref<96x80xf32, #tpu.memory_space<vmem_shared>>
      tpu.enqueue_dma source(%arg10 : memref<96x80xf32, #tpu.memory_space<vmem>>) target(%dma_start3A_96 : memref<96x80xf32, #tpu.memory_space<vmem_shared>>) target_semaphore(%run_scoped3A : memref<!tpu.dma_semaphore, #tpu.memory_space<semaphore_mem>>)
      %dma_wait3A_97 = arith.constant 0 : i32
      %dma_wait3A_98 = tpu.memref_slice %arg15[%add3A_5, %dma_wait3A_97] : memref<12288x80xf32, #tpu.memory_space<vmem_shared>> -> memref<96x80xf32, #tpu.memory_space<vmem_shared>>
      %dma_wait3A_99 = arith.constant 0 : i32
      %dma_wait3A_100 = tpu.memref_slice %arg15[%add3A_5, %dma_wait3A_99] : memref<12288x80xf32, #tpu.memory_space<vmem_shared>> -> memref<96x80xf32, #tpu.memory_space<vmem_shared>>
      tpu.wait_dma2 semaphore(%run_scoped3A : memref<!tpu.dma_semaphore, #tpu.memory_space<semaphore_mem>>) src(%arg10 : memref<96x80xf32, #tpu.memory_space<vmem>>) dst(%dma_wait3A_100 : memref<96x80xf32, #tpu.memory_space<vmem_shared>>)
      tpu.yield
    }) : () -> ()
    %mul3A_6 = arith.constant 768 : i32
    %mul3A_7 = arith.muli %arg1, %mul3A_6 : i32
    %add3A_8 = arith.constant 192 : i32
    %add3A_9 = arith.addi %mul3A_7, %add3A_8 : i32
    "tpu.region"() ({
      %run_scoped3A = tpu.sem_alloc : memref<!tpu.dma_semaphore, #tpu.memory_space<semaphore_mem>>
      %dma_start3A_93 = arith.constant 0 : i32
      %dma_start3A_94 = tpu.memref_slice %arg15[%add3A_9, %dma_start3A_93] : memref<12288x80xf32, #tpu.memory_space<vmem_shared>> -> memref<96x80xf32, #tpu.memory_space<vmem_shared>>
      %dma_start3A_95 = arith.constant 0 : i32
      %dma_start3A_96 = tpu.memref_slice %arg15[%add3A_9, %dma_start3A_95] : memref<12288x80xf32, #tpu.memory_space<vmem_shared>> -> memref<96x80xf32, #tpu.memory_space<vmem_shared>>
      tpu.enqueue_dma source(%arg10 : memref<96x80xf32, #tpu.memory_space<vmem>>) target(%dma_start3A_96 : memref<96x80xf32, #tpu.memory_space<vmem_shared>>) target_semaphore(%run_scoped3A : memref<!tpu.dma_semaphore, #tpu.memory_space<semaphore_mem>>)
      %dma_wait3A_97 = arith.constant 0 : i32
      %dma_wait3A_98 = tpu.memref_slice %arg15[%add3A_9, %dma_wait3A_97] : memref<12288x80xf32, #tpu.memory_space<vmem_shared>> -> memref<96x80xf32, #tpu.memory_space<vmem_shared>>
      %dma_wait3A_99 = arith.constant 0 : i32
      %dma_wait3A_100 = tpu.memref_slice %arg15[%add3A_9, %dma_wait3A_99] : memref<12288x80xf32, #tpu.memory_space<vmem_shared>> -> memref<96x80xf32, #tpu.memory_space<vmem_shared>>
      tpu.wait_dma2 semaphore(%run_scoped3A : memref<!tpu.dma_semaphore, #tpu.memory_space<semaphore_mem>>) src(%arg10 : memref<96x80xf32, #tpu.memory_space<vmem>>) dst(%dma_wait3A_100 : memref<96x80xf32, #tpu.memory_space<vmem_shared>>)
      tpu.yield
    }) : () -> ()
    %mul3A_10 = arith.constant 768 : i32
    %mul3A_11 = arith.muli %arg1, %mul3A_10 : i32
    %add3A_12 = arith.constant 288 : i32
    %add3A_13 = arith.addi %mul3A_11, %add3A_12 : i32
    "tpu.region"() ({
      %run_scoped3A = tpu.sem_alloc : memref<!tpu.dma_semaphore, #tpu.memory_space<semaphore_mem>>
      %dma_start3A_93 = arith.constant 0 : i32
      %dma_start3A_94 = tpu.memref_slice %arg15[%add3A_13, %dma_start3A_93] : memref<12288x80xf32, #tpu.memory_space<vmem_shared>> -> memref<96x80xf32, #tpu.memory_space<vmem_shared>>
      %dma_start3A_95 = arith.constant 0 : i32
      %dma_start3A_96 = tpu.memref_slice %arg15[%add3A_13, %dma_start3A_95] : memref<12288x80xf32, #tpu.memory_space<vmem_shared>> -> memref<96x80xf32, #tpu.memory_space<vmem_shared>>
      tpu.enqueue_dma source(%arg10 : memref<96x80xf32, #tpu.memory_space<vmem>>) target(%dma_start3A_96 : memref<96x80xf32, #tpu.memory_space<vmem_shared>>) target_semaphore(%run_scoped3A : memref<!tpu.dma_semaphore, #tpu.memory_space<semaphore_mem>>)
      %dma_wait3A_97 = arith.constant 0 : i32
      %dma_wait3A_98 = tpu.memref_slice %arg15[%add3A_13, %dma_wait3A_97] : memref<12288x80xf32, #tpu.memory_space<vmem_shared>> -> memref<96x80xf32, #tpu.memory_space<vmem_shared>>
      %dma_wait3A_99 = arith.constant 0 : i32
      %dma_wait3A_100 = tpu.memref_slice %arg15[%add3A_13, %dma_wait3A_99] : memref<12288x80xf32, #tpu.memory_space<vmem_shared>> -> memref<96x80xf32, #tpu.memory_space<vmem_shared>>
      tpu.wait_dma2 semaphore(%run_scoped3A : memref<!tpu.dma_semaphore, #tpu.memory_space<semaphore_mem>>) src(%arg10 : memref<96x80xf32, #tpu.memory_space<vmem>>) dst(%dma_wait3A_100 : memref<96x80xf32, #tpu.memory_space<vmem_shared>>)
      tpu.yield
    }) : () -> ()
    %mul3A_14 = arith.constant 768 : i32
    %mul3A_15 = arith.muli %arg1, %mul3A_14 : i32
    %add3A_16 = arith.constant 384 : i32
    %add3A_17 = arith.addi %mul3A_15, %add3A_16 : i32
    "tpu.region"() ({
      %run_scoped3A = tpu.sem_alloc : memref<!tpu.dma_semaphore, #tpu.memory_space<semaphore_mem>>
      %dma_start3A_93 = arith.constant 0 : i32
      %dma_start3A_94 = tpu.memref_slice %arg15[%add3A_17, %dma_start3A_93] : memref<12288x80xf32, #tpu.memory_space<vmem_shared>> -> memref<96x80xf32, #tpu.memory_space<vmem_shared>>
      %dma_start3A_95 = arith.constant 0 : i32
      %dma_start3A_96 = tpu.memref_slice %arg15[%add3A_17, %dma_start3A_95] : memref<12288x80xf32, #tpu.memory_space<vmem_shared>> -> memref<96x80xf32, #tpu.memory_space<vmem_shared>>
      tpu.enqueue_dma source(%arg10 : memref<96x80xf32, #tpu.memory_space<vmem>>) target(%dma_start3A_96 : memref<96x80xf32, #tpu.memory_space<vmem_shared>>) target_semaphore(%run_scoped3A : memref<!tpu.dma_semaphore, #tpu.memory_space<semaphore_mem>>)
      %dma_wait3A_97 = arith.constant 0 : i32
      %dma_wait3A_98 = tpu.memref_slice %arg15[%add3A_17, %dma_wait3A_97] : memref<12288x80xf32, #tpu.memory_space<vmem_shared>> -> memref<96x80xf32, #tpu.memory_space<vmem_shared>>
      %dma_wait3A_99 = arith.constant 0 : i32
      %dma_wait3A_100 = tpu.memref_slice %arg15[%add3A_17, %dma_wait3A_99] : memref<12288x80xf32, #tpu.memory_space<vmem_shared>> -> memref<96x80xf32, #tpu.memory_space<vmem_shared>>
      tpu.wait_dma2 semaphore(%run_scoped3A : memref<!tpu.dma_semaphore, #tpu.memory_space<semaphore_mem>>) src(%arg10 : memref<96x80xf32, #tpu.memory_space<vmem>>) dst(%dma_wait3A_100 : memref<96x80xf32, #tpu.memory_space<vmem_shared>>)
      tpu.yield
    }) : () -> ()
    %mul3A_18 = arith.constant 768 : i32
    %mul3A_19 = arith.muli %arg1, %mul3A_18 : i32
    %add3A_20 = arith.constant 480 : i32
    %add3A_21 = arith.addi %mul3A_19, %add3A_20 : i32
    "tpu.region"() ({
      %run_scoped3A = tpu.sem_alloc : memref<!tpu.dma_semaphore, #tpu.memory_space<semaphore_mem>>
      %dma_start3A_93 = arith.constant 0 : i32
      %dma_start3A_94 = tpu.memref_slice %arg15[%add3A_21, %dma_start3A_93] : memref<12288x80xf32, #tpu.memory_space<vmem_shared>> -> memref<96x80xf32, #tpu.memory_space<vmem_shared>>
      %dma_start3A_95 = arith.constant 0 : i32
      %dma_start3A_96 = tpu.memref_slice %arg15[%add3A_21, %dma_start3A_95] : memref<12288x80xf32, #tpu.memory_space<vmem_shared>> -> memref<96x80xf32, #tpu.memory_space<vmem_shared>>
      tpu.enqueue_dma source(%arg10 : memref<96x80xf32, #tpu.memory_space<vmem>>) target(%dma_start3A_96 : memref<96x80xf32, #tpu.memory_space<vmem_shared>>) target_semaphore(%run_scoped3A : memref<!tpu.dma_semaphore, #tpu.memory_space<semaphore_mem>>)
      %dma_wait3A_97 = arith.constant 0 : i32
      %dma_wait3A_98 = tpu.memref_slice %arg15[%add3A_21, %dma_wait3A_97] : memref<12288x80xf32, #tpu.memory_space<vmem_shared>> -> memref<96x80xf32, #tpu.memory_space<vmem_shared>>
      %dma_wait3A_99 = arith.constant 0 : i32
      %dma_wait3A_100 = tpu.memref_slice %arg15[%add3A_21, %dma_wait3A_99] : memref<12288x80xf32, #tpu.memory_space<vmem_shared>> -> memref<96x80xf32, #tpu.memory_space<vmem_shared>>
      tpu.wait_dma2 semaphore(%run_scoped3A : memref<!tpu.dma_semaphore, #tpu.memory_space<semaphore_mem>>) src(%arg10 : memref<96x80xf32, #tpu.memory_space<vmem>>) dst(%dma_wait3A_100 : memref<96x80xf32, #tpu.memory_space<vmem_shared>>)
      tpu.yield
    }) : () -> ()
    %mul3A_22 = arith.constant 768 : i32
    %mul3A_23 = arith.muli %arg1, %mul3A_22 : i32
    %add3A_24 = arith.constant 576 : i32
    %add3A_25 = arith.addi %mul3A_23, %add3A_24 : i32
    "tpu.region"() ({
      %run_scoped3A = tpu.sem_alloc : memref<!tpu.dma_semaphore, #tpu.memory_space<semaphore_mem>>
      %dma_start3A_93 = arith.constant 0 : i32
      %dma_start3A_94 = tpu.memref_slice %arg15[%add3A_25, %dma_start3A_93] : memref<12288x80xf32, #tpu.memory_space<vmem_shared>> -> memref<96x80xf32, #tpu.memory_space<vmem_shared>>
      %dma_start3A_95 = arith.constant 0 : i32
      %dma_start3A_96 = tpu.memref_slice %arg15[%add3A_25, %dma_start3A_95] : memref<12288x80xf32, #tpu.memory_space<vmem_shared>> -> memref<96x80xf32, #tpu.memory_space<vmem_shared>>
      tpu.enqueue_dma source(%arg10 : memref<96x80xf32, #tpu.memory_space<vmem>>) target(%dma_start3A_96 : memref<96x80xf32, #tpu.memory_space<vmem_shared>>) target_semaphore(%run_scoped3A : memref<!tpu.dma_semaphore, #tpu.memory_space<semaphore_mem>>)
      %dma_wait3A_97 = arith.constant 0 : i32
      %dma_wait3A_98 = tpu.memref_slice %arg15[%add3A_25, %dma_wait3A_97] : memref<12288x80xf32, #tpu.memory_space<vmem_shared>> -> memref<96x80xf32, #tpu.memory_space<vmem_shared>>
      %dma_wait3A_99 = arith.constant 0 : i32
      %dma_wait3A_100 = tpu.memref_slice %arg15[%add3A_25, %dma_wait3A_99] : memref<12288x80xf32, #tpu.memory_space<vmem_shared>> -> memref<96x80xf32, #tpu.memory_space<vmem_shared>>
      tpu.wait_dma2 semaphore(%run_scoped3A : memref<!tpu.dma_semaphore, #tpu.memory_space<semaphore_mem>>) src(%arg10 : memref<96x80xf32, #tpu.memory_space<vmem>>) dst(%dma_wait3A_100 : memref<96x80xf32, #tpu.memory_space<vmem_shared>>)
      tpu.yield
    }) : () -> ()
    %mul3A_26 = arith.constant 768 : i32
    %mul3A_27 = arith.muli %arg1, %mul3A_26 : i32
    %add3A_28 = arith.constant 672 : i32
    %add3A_29 = arith.addi %mul3A_27, %add3A_28 : i32
    "tpu.region"() ({
      %run_scoped3A = tpu.sem_alloc : memref<!tpu.dma_semaphore, #tpu.memory_space<semaphore_mem>>
      %dma_start3A_93 = arith.constant 0 : i32
      %dma_start3A_94 = tpu.memref_slice %arg15[%add3A_29, %dma_start3A_93] : memref<12288x80xf32, #tpu.memory_space<vmem_shared>> -> memref<96x80xf32, #tpu.memory_space<vmem_shared>>
      %dma_start3A_95 = arith.constant 0 : i32
      %dma_start3A_96 = tpu.memref_slice %arg15[%add3A_29, %dma_start3A_95] : memref<12288x80xf32, #tpu.memory_space<vmem_shared>> -> memref<96x80xf32, #tpu.memory_space<vmem_shared>>
      tpu.enqueue_dma source(%arg10 : memref<96x80xf32, #tpu.memory_space<vmem>>) target(%dma_start3A_96 : memref<96x80xf32, #tpu.memory_space<vmem_shared>>) target_semaphore(%run_scoped3A : memref<!tpu.dma_semaphore, #tpu.memory_space<semaphore_mem>>)
      %dma_wait3A_97 = arith.constant 0 : i32
      %dma_wait3A_98 = tpu.memref_slice %arg15[%add3A_29, %dma_wait3A_97] : memref<12288x80xf32, #tpu.memory_space<vmem_shared>> -> memref<96x80xf32, #tpu.memory_space<vmem_shared>>
      %dma_wait3A_99 = arith.constant 0 : i32
      %dma_wait3A_100 = tpu.memref_slice %arg15[%add3A_29, %dma_wait3A_99] : memref<12288x80xf32, #tpu.memory_space<vmem_shared>> -> memref<96x80xf32, #tpu.memory_space<vmem_shared>>
      tpu.wait_dma2 semaphore(%run_scoped3A : memref<!tpu.dma_semaphore, #tpu.memory_space<semaphore_mem>>) src(%arg10 : memref<96x80xf32, #tpu.memory_space<vmem>>) dst(%dma_wait3A_100 : memref<96x80xf32, #tpu.memory_space<vmem_shared>>)
      tpu.yield
    }) : () -> ()
    %barrier3A = arith.constant 0 : index
    tpu.barrier barrier_id(%barrier3A)
    %dma_start3A = arith.constant 0 : i32
    %dma_start3A_30 = arith.constant 0 : i32
    %dma_start3A_31 = arith.constant 0 : i32
    %dma_start3A_32 = arith.constant 0 : i32
    %dma_start3A_33 = tpu.memref_slice %arg9[%dma_start3A_30, %dma_start3A_31, %dma_start3A_32] : memref<2x80x80xf32, #tpu.memory_space<vmem>> -> memref<1x80x80xf32, #tpu.memory_space<vmem>>
    %dma_start3A_34 = tpu.memref_squeeze %dma_start3A_33 : memref<1x80x80xf32, #tpu.memory_space<vmem>> -> memref<80x80xf32, #tpu.memory_space<vmem>>
    %dma_start3A_35 = arith.constant 0 : i32
    %dma_start3A_36 = tpu.memref_slice %arg7[%dma_start3A, %dma_start3A_35] : memref<266x80xi32, #tpu.memory_space<vmem>> -> memref<1x80xi32, #tpu.memory_space<vmem>>
    %dma_start3A_37 = tpu.memref_squeeze %dma_start3A_36 : memref<1x80xi32, #tpu.memory_space<vmem>> -> memref<80xi32, #tpu.memory_space<vmem>>
    %dma_start3A_38 = arith.constant 0 : i32
    %dma_start3A_39 = arith.constant 0 : i32
    %dma_start3A_40 = tpu.memref_slice %arg2[%arg0, %dma_start3A_38, %dma_start3A_39] : memref<2x12288x80xf32, #tpu.memory_space<hbm>> -> memref<1x12288x80xf32, #tpu.memory_space<hbm>>
    %dma_start3A_41 = tpu.memref_squeeze %dma_start3A_40 : memref<1x12288x80xf32, #tpu.memory_space<hbm>> -> memref<12288x80xf32, #tpu.memory_space<hbm>>
    %dma_start3A_42 = arith.constant 0 : i32
    %dma_start3A_43 = arith.constant 0 : i32
    %dma_start3A_44 = tpu.memref_slice %dma_start3A_41[%dma_start3A_42, %dma_start3A_43] : memref<12288x80xf32, #tpu.memory_space<hbm>> -> memref<12288x80xf32, #tpu.memory_space<hbm>>
    tpu.enqueue_indirect_dma source(%dma_start3A_44 : memref<12288x80xf32, #tpu.memory_space<hbm>>) target(%dma_start3A_34 : memref<80x80xf32, #tpu.memory_space<vmem>>) offsets(%dma_start3A_37 : memref<80xi32, #tpu.memory_space<vmem>>) semaphore(%arg11 : memref<!tpu.dma_semaphore, #tpu.memory_space<semaphore_mem>>)
    %dma_start3A_45 = arith.constant 1 : i32
    %dma_start3A_46 = arith.constant 1 : i32
    %dma_start3A_47 = arith.constant 0 : i32
    %dma_start3A_48 = arith.constant 0 : i32
    %dma_start3A_49 = tpu.memref_slice %arg9[%dma_start3A_46, %dma_start3A_47, %dma_start3A_48] : memref<2x80x80xf32, #tpu.memory_space<vmem>> -> memref<1x80x80xf32, #tpu.memory_space<vmem>>
    %dma_start3A_50 = tpu.memref_squeeze %dma_start3A_49 : memref<1x80x80xf32, #tpu.memory_space<vmem>> -> memref<80x80xf32, #tpu.memory_space<vmem>>
    %dma_start3A_51 = arith.constant 0 : i32
    %dma_start3A_52 = tpu.memref_slice %arg7[%dma_start3A_45, %dma_start3A_51] : memref<266x80xi32, #tpu.memory_space<vmem>> -> memref<1x80xi32, #tpu.memory_space<vmem>>
    %dma_start3A_53 = tpu.memref_squeeze %dma_start3A_52 : memref<1x80xi32, #tpu.memory_space<vmem>> -> memref<80xi32, #tpu.memory_space<vmem>>
    %dma_start3A_54 = arith.constant 0 : i32
    %dma_start3A_55 = arith.constant 0 : i32
    %dma_start3A_56 = tpu.memref_slice %arg2[%arg0, %dma_start3A_54, %dma_start3A_55] : memref<2x12288x80xf32, #tpu.memory_space<hbm>> -> memref<1x12288x80xf32, #tpu.memory_space<hbm>>
    %dma_start3A_57 = tpu.memref_squeeze %dma_start3A_56 : memref<1x12288x80xf32, #tpu.memory_space<hbm>> -> memref<12288x80xf32, #tpu.memory_space<hbm>>
    %dma_start3A_58 = arith.constant 0 : i32
    %dma_start3A_59 = arith.constant 0 : i32
    %dma_start3A_60 = tpu.memref_slice %dma_start3A_57[%dma_start3A_58, %dma_start3A_59] : memref<12288x80xf32, #tpu.memory_space<hbm>> -> memref<12288x80xf32, #tpu.memory_space<hbm>>
    tpu.enqueue_indirect_dma source(%dma_start3A_60 : memref<12288x80xf32, #tpu.memory_space<hbm>>) target(%dma_start3A_50 : memref<80x80xf32, #tpu.memory_space<vmem>>) offsets(%dma_start3A_53 : memref<80xi32, #tpu.memory_space<vmem>>) semaphore(%arg12 : memref<!tpu.dma_semaphore, #tpu.memory_space<semaphore_mem>>)
    %scan3A = arith.constant 0 : i32
    %scan3A_61 = arith.constant 133 : i32
    %scan3A_62 = arith.addi %scan3A, %scan3A_61 : i32
    %scan3A_63 = arith.constant 1 : i32
    scf.for %scan3A_93 = %scan3A to %scan3A_62 step %scan3A_63  : i32 {
      %mul3A_94 = arith.constant 2 : i32
      %mul3A_95 = arith.muli %scan3A_93, %mul3A_94 : i32
      %add3A_96 = arith.constant 0 : i32
      %add3A_97 = arith.addi %add3A_96, %mul3A_95 : i32
      %add3A_98 = arith.constant 0 : i32
      %add3A_99 = arith.addi %add3A_97, %add3A_98 : i32
      %dma_wait3A_100 = arith.constant 0 : i32
      %dma_wait3A_101 = arith.constant 0 : i32
      %dma_wait3A_102 = arith.constant 0 : i32
      %dma_wait3A_103 = arith.constant 0 : i32
      %dma_wait3A_104 = tpu.memref_slice %arg9[%dma_wait3A_101, %dma_wait3A_102, %dma_wait3A_103] : memref<2x80x80xf32, #tpu.memory_space<vmem>> -> memref<1x80x80xf32, #tpu.memory_space<vmem>>
      %dma_wait3A_105 = tpu.memref_squeeze %dma_wait3A_104 : memref<1x80x80xf32, #tpu.memory_space<vmem>> -> memref<80x80xf32, #tpu.memory_space<vmem>>
      %dma_wait3A_106 = arith.constant 0 : i32
      %dma_wait3A_107 = tpu.memref_slice %arg7[%dma_wait3A_100, %dma_wait3A_106] : memref<266x80xi32, #tpu.memory_space<vmem>> -> memref<1x80xi32, #tpu.memory_space<vmem>>
      %dma_wait3A_108 = tpu.memref_squeeze %dma_wait3A_107 : memref<1x80xi32, #tpu.memory_space<vmem>> -> memref<80xi32, #tpu.memory_space<vmem>>
      %dma_wait3A_109 = arith.constant 0 : i32
      %dma_wait3A_110 = arith.constant 0 : i32
      %dma_wait3A_111 = tpu.memref_slice %arg2[%arg0, %dma_wait3A_109, %dma_wait3A_110] : memref<2x12288x80xf32, #tpu.memory_space<hbm>> -> memref<1x12288x80xf32, #tpu.memory_space<hbm>>
      %dma_wait3A_112 = tpu.memref_squeeze %dma_wait3A_111 : memref<1x12288x80xf32, #tpu.memory_space<hbm>> -> memref<12288x80xf32, #tpu.memory_space<hbm>>
      %dma_wait3A_113 = arith.constant 0 : i32
      %dma_wait3A_114 = arith.constant 0 : i32
      %dma_wait3A_115 = tpu.memref_slice %dma_wait3A_112[%dma_wait3A_113, %dma_wait3A_114] : memref<12288x80xf32, #tpu.memory_space<hbm>> -> memref<12288x80xf32, #tpu.memory_space<hbm>>
      tpu.wait_indirect_dma semaphore(%arg11 : memref<!tpu.dma_semaphore, #tpu.memory_space<semaphore_mem>>) src(%dma_wait3A_115 : memref<12288x80xf32, #tpu.memory_space<hbm>>) dst(%dma_wait3A_105 : memref<80x80xf32, #tpu.memory_space<vmem>>)
      %dma_start3A_116 = arith.constant 0 : i32
      %dma_start3A_117 = arith.constant 0 : i32
      %dma_start3A_118 = arith.constant 0 : i32
      %dma_start3A_119 = tpu.memref_slice %arg9[%dma_start3A_116, %dma_start3A_117, %dma_start3A_118] : memref<2x80x80xf32, #tpu.memory_space<vmem>> -> memref<1x80x80xf32, #tpu.memory_space<vmem>>
      %dma_start3A_120 = tpu.memref_squeeze %dma_start3A_119 : memref<1x80x80xf32, #tpu.memory_space<vmem>> -> memref<80x80xf32, #tpu.memory_space<vmem>>
      %dma_start3A_121 = arith.constant 0 : i32
      %dma_start3A_122 = tpu.memref_slice %arg8[%add3A_99, %dma_start3A_121] : memref<266x80xi32, #tpu.memory_space<vmem>> -> memref<1x80xi32, #tpu.memory_space<vmem>>
      %dma_start3A_123 = tpu.memref_squeeze %dma_start3A_122 : memref<1x80xi32, #tpu.memory_space<vmem>> -> memref<80xi32, #tpu.memory_space<vmem>>
      %dma_start3A_124 = arith.constant 0 : i32
      %dma_start3A_125 = arith.constant 0 : i32
      %dma_start3A_126 = tpu.memref_slice %arg15[%dma_start3A_124, %dma_start3A_125] : memref<12288x80xf32, #tpu.memory_space<vmem_shared>> -> memref<12288x80xf32, #tpu.memory_space<vmem_shared>>
      tpu.enqueue_indirect_dma source(%dma_start3A_120 : memref<80x80xf32, #tpu.memory_space<vmem>>) target(%dma_start3A_126 : memref<12288x80xf32, #tpu.memory_space<vmem_shared>>) offsets(%dma_start3A_123 : memref<80xi32, #tpu.memory_space<vmem>>) semaphore(%arg13 : memref<!tpu.dma_semaphore, #tpu.memory_space<semaphore_mem>>) {add = true}
      %add3A_127 = arith.constant 2 : i32
      %add3A_128 = arith.addi %add3A_99, %add3A_127 : i32
      %lt3A = arith.constant 266 : i32
      %lt3A_129 = arith.cmpi slt, %add3A_128, %lt3A : i32
      %convert_element_type3A = arith.extui %lt3A_129 : i1 to i32
      %cond3A = arith.constant 0 : i32
      %cond3A_130 = arith.cmpi ne, %convert_element_type3A, %cond3A : i32
      scf.if %cond3A_130 {
        %dma_wait3A_167 = arith.constant 0 : i32
        %dma_wait3A_168 = arith.constant 0 : i32
        %dma_wait3A_169 = arith.constant 0 : i32
        %dma_wait3A_170 = arith.constant 0 : i32
        %dma_wait3A_171 = tpu.memref_slice %arg9[%dma_wait3A_167, %dma_wait3A_169, %dma_wait3A_170] : memref<2x80x80xf32, #tpu.memory_space<vmem>> -> memref<1x80x80xf32, #tpu.memory_space<vmem>>
        %dma_wait3A_172 = tpu.memref_squeeze %dma_wait3A_171 : memref<1x80x80xf32, #tpu.memory_space<vmem>> -> memref<80x80xf32, #tpu.memory_space<vmem>>
        %dma_wait3A_173 = arith.constant 0 : i32
        %dma_wait3A_174 = tpu.memref_slice %arg8[%dma_wait3A_168, %dma_wait3A_173] : memref<266x80xi32, #tpu.memory_space<vmem>> -> memref<1x80xi32, #tpu.memory_space<vmem>>
        %dma_wait3A_175 = tpu.memref_squeeze %dma_wait3A_174 : memref<1x80xi32, #tpu.memory_space<vmem>> -> memref<80xi32, #tpu.memory_space<vmem>>
        %dma_wait3A_176 = arith.constant 0 : i32
        %dma_wait3A_177 = arith.constant 0 : i32
        %dma_wait3A_178 = tpu.memref_slice %arg15[%dma_wait3A_176, %dma_wait3A_177] : memref<12288x80xf32, #tpu.memory_space<vmem_shared>> -> memref<12288x80xf32, #tpu.memory_space<vmem_shared>>
        tpu.wait_indirect_dma semaphore(%arg13 : memref<!tpu.dma_semaphore, #tpu.memory_space<semaphore_mem>>) src(%dma_wait3A_172 : memref<80x80xf32, #tpu.memory_space<vmem>>) dst(%dma_wait3A_178 : memref<12288x80xf32, #tpu.memory_space<vmem_shared>>)
        %add3A_179 = arith.constant 2 : i32
        %add3A_180 = arith.addi %add3A_99, %add3A_179 : i32
        %dma_start3A_181 = arith.constant 0 : i32
        %dma_start3A_182 = arith.constant 0 : i32
        %dma_start3A_183 = arith.constant 0 : i32
        %dma_start3A_184 = tpu.memref_slice %arg9[%dma_start3A_181, %dma_start3A_182, %dma_start3A_183] : memref<2x80x80xf32, #tpu.memory_space<vmem>> -> memref<1x80x80xf32, #tpu.memory_space<vmem>>
        %dma_start3A_185 = tpu.memref_squeeze %dma_start3A_184 : memref<1x80x80xf32, #tpu.memory_space<vmem>> -> memref<80x80xf32, #tpu.memory_space<vmem>>
        %dma_start3A_186 = arith.constant 0 : i32
        %dma_start3A_187 = tpu.memref_slice %arg7[%add3A_180, %dma_start3A_186] : memref<266x80xi32, #tpu.memory_space<vmem>> -> memref<1x80xi32, #tpu.memory_space<vmem>>
        %dma_start3A_188 = tpu.memref_squeeze %dma_start3A_187 : memref<1x80xi32, #tpu.memory_space<vmem>> -> memref<80xi32, #tpu.memory_space<vmem>>
        %dma_start3A_189 = arith.constant 0 : i32
        %dma_start3A_190 = arith.constant 0 : i32
        %dma_start3A_191 = tpu.memref_slice %arg2[%arg0, %dma_start3A_189, %dma_start3A_190] : memref<2x12288x80xf32, #tpu.memory_space<hbm>> -> memref<1x12288x80xf32, #tpu.memory_space<hbm>>
        %dma_start3A_192 = tpu.memref_squeeze %dma_start3A_191 : memref<1x12288x80xf32, #tpu.memory_space<hbm>> -> memref<12288x80xf32, #tpu.memory_space<hbm>>
        %dma_start3A_193 = arith.constant 0 : i32
        %dma_start3A_194 = arith.constant 0 : i32
        %dma_start3A_195 = tpu.memref_slice %dma_start3A_192[%dma_start3A_193, %dma_start3A_194] : memref<12288x80xf32, #tpu.memory_space<hbm>> -> memref<12288x80xf32, #tpu.memory_space<hbm>>
        tpu.enqueue_indirect_dma source(%dma_start3A_195 : memref<12288x80xf32, #tpu.memory_space<hbm>>) target(%dma_start3A_185 : memref<80x80xf32, #tpu.memory_space<vmem>>) offsets(%dma_start3A_188 : memref<80xi32, #tpu.memory_space<vmem>>) semaphore(%arg11 : memref<!tpu.dma_semaphore, #tpu.memory_space<semaphore_mem>>)
      } else {
      }
      %add3A_131 = arith.constant 1 : i32
      %add3A_132 = arith.addi %add3A_97, %add3A_131 : i32
      %dma_wait3A_133 = arith.constant 0 : i32
      %dma_wait3A_134 = arith.constant 1 : i32
      %dma_wait3A_135 = arith.constant 0 : i32
      %dma_wait3A_136 = arith.constant 0 : i32
      %dma_wait3A_137 = tpu.memref_slice %arg9[%dma_wait3A_134, %dma_wait3A_135, %dma_wait3A_136] : memref<2x80x80xf32, #tpu.memory_space<vmem>> -> memref<1x80x80xf32, #tpu.memory_space<vmem>>
      %dma_wait3A_138 = tpu.memref_squeeze %dma_wait3A_137 : memref<1x80x80xf32, #tpu.memory_space<vmem>> -> memref<80x80xf32, #tpu.memory_space<vmem>>
      %dma_wait3A_139 = arith.constant 0 : i32
      %dma_wait3A_140 = tpu.memref_slice %arg7[%dma_wait3A_133, %dma_wait3A_139] : memref<266x80xi32, #tpu.memory_space<vmem>> -> memref<1x80xi32, #tpu.memory_space<vmem>>
      %dma_wait3A_141 = tpu.memref_squeeze %dma_wait3A_140 : memref<1x80xi32, #tpu.memory_space<vmem>> -> memref<80xi32, #tpu.memory_space<vmem>>
      %dma_wait3A_142 = arith.constant 0 : i32
      %dma_wait3A_143 = arith.constant 0 : i32
      %dma_wait3A_144 = tpu.memref_slice %arg2[%arg0, %dma_wait3A_142, %dma_wait3A_143] : memref<2x12288x80xf32, #tpu.memory_space<hbm>> -> memref<1x12288x80xf32, #tpu.memory_space<hbm>>
      %dma_wait3A_145 = tpu.memref_squeeze %dma_wait3A_144 : memref<1x12288x80xf32, #tpu.memory_space<hbm>> -> memref<12288x80xf32, #tpu.memory_space<hbm>>
      %dma_wait3A_146 = arith.constant 0 : i32
      %dma_wait3A_147 = arith.constant 0 : i32
      %dma_wait3A_148 = tpu.memref_slice %dma_wait3A_145[%dma_wait3A_146, %dma_wait3A_147] : memref<12288x80xf32, #tpu.memory_space<hbm>> -> memref<12288x80xf32, #tpu.memory_space<hbm>>
      tpu.wait_indirect_dma semaphore(%arg12 : memref<!tpu.dma_semaphore, #tpu.memory_space<semaphore_mem>>) src(%dma_wait3A_148 : memref<12288x80xf32, #tpu.memory_space<hbm>>) dst(%dma_wait3A_138 : memref<80x80xf32, #tpu.memory_space<vmem>>)
      %dma_start3A_149 = arith.constant 1 : i32
      %dma_start3A_150 = arith.constant 0 : i32
      %dma_start3A_151 = arith.constant 0 : i32
      %dma_start3A_152 = tpu.memref_slice %arg9[%dma_start3A_149, %dma_start3A_150, %dma_start3A_151] : memref<2x80x80xf32, #tpu.memory_space<vmem>> -> memref<1x80x80xf32, #tpu.memory_space<vmem>>
      %dma_start3A_153 = tpu.memref_squeeze %dma_start3A_152 : memref<1x80x80xf32, #tpu.memory_space<vmem>> -> memref<80x80xf32, #tpu.memory_space<vmem>>
      %dma_start3A_154 = arith.constant 0 : i32
      %dma_start3A_155 = tpu.memref_slice %arg8[%add3A_132, %dma_start3A_154] : memref<266x80xi32, #tpu.memory_space<vmem>> -> memref<1x80xi32, #tpu.memory_space<vmem>>
      %dma_start3A_156 = tpu.memref_squeeze %dma_start3A_155 : memref<1x80xi32, #tpu.memory_space<vmem>> -> memref<80xi32, #tpu.memory_space<vmem>>
      %dma_start3A_157 = arith.constant 0 : i32
      %dma_start3A_158 = arith.constant 0 : i32
      %dma_start3A_159 = tpu.memref_slice %arg15[%dma_start3A_157, %dma_start3A_158] : memref<12288x80xf32, #tpu.memory_space<vmem_shared>> -> memref<12288x80xf32, #tpu.memory_space<vmem_shared>>
      tpu.enqueue_indirect_dma source(%dma_start3A_153 : memref<80x80xf32, #tpu.memory_space<vmem>>) target(%dma_start3A_159 : memref<12288x80xf32, #tpu.memory_space<vmem_shared>>) offsets(%dma_start3A_156 : memref<80xi32, #tpu.memory_space<vmem>>) semaphore(%arg14 : memref<!tpu.dma_semaphore, #tpu.memory_space<semaphore_mem>>) {add = true}
      %add3A_160 = arith.constant 2 : i32
      %add3A_161 = arith.addi %add3A_132, %add3A_160 : i32
      %lt3A_162 = arith.constant 266 : i32
      %lt3A_163 = arith.cmpi slt, %add3A_161, %lt3A_162 : i32
      %convert_element_type3A_164 = arith.extui %lt3A_163 : i1 to i32
      %cond3A_165 = arith.constant 0 : i32
      %cond3A_166 = arith.cmpi ne, %convert_element_type3A_164, %cond3A_165 : i32
      scf.if %cond3A_166 {
        %dma_wait3A_167 = arith.constant 1 : i32
        %dma_wait3A_168 = arith.constant 0 : i32
        %dma_wait3A_169 = arith.constant 0 : i32
        %dma_wait3A_170 = arith.constant 0 : i32
        %dma_wait3A_171 = tpu.memref_slice %arg9[%dma_wait3A_167, %dma_wait3A_169, %dma_wait3A_170] : memref<2x80x80xf32, #tpu.memory_space<vmem>> -> memref<1x80x80xf32, #tpu.memory_space<vmem>>
        %dma_wait3A_172 = tpu.memref_squeeze %dma_wait3A_171 : memref<1x80x80xf32, #tpu.memory_space<vmem>> -> memref<80x80xf32, #tpu.memory_space<vmem>>
        %dma_wait3A_173 = arith.constant 0 : i32
        %dma_wait3A_174 = tpu.memref_slice %arg8[%dma_wait3A_168, %dma_wait3A_173] : memref<266x80xi32, #tpu.memory_space<vmem>> -> memref<1x80xi32, #tpu.memory_space<vmem>>
        %dma_wait3A_175 = tpu.memref_squeeze %dma_wait3A_174 : memref<1x80xi32, #tpu.memory_space<vmem>> -> memref<80xi32, #tpu.memory_space<vmem>>
        %dma_wait3A_176 = arith.constant 0 : i32
        %dma_wait3A_177 = arith.constant 0 : i32
        %dma_wait3A_178 = tpu.memref_slice %arg15[%dma_wait3A_176, %dma_wait3A_177] : memref<12288x80xf32, #tpu.memory_space<vmem_shared>> -> memref<12288x80xf32, #tpu.memory_space<vmem_shared>>
        tpu.wait_indirect_dma semaphore(%arg14 : memref<!tpu.dma_semaphore, #tpu.memory_space<semaphore_mem>>) src(%dma_wait3A_172 : memref<80x80xf32, #tpu.memory_space<vmem>>) dst(%dma_wait3A_178 : memref<12288x80xf32, #tpu.memory_space<vmem_shared>>)
        %add3A_179 = arith.constant 2 : i32
        %add3A_180 = arith.addi %add3A_132, %add3A_179 : i32
        %dma_start3A_181 = arith.constant 1 : i32
        %dma_start3A_182 = arith.constant 0 : i32
        %dma_start3A_183 = arith.constant 0 : i32
        %dma_start3A_184 = tpu.memref_slice %arg9[%dma_start3A_181, %dma_start3A_182, %dma_start3A_183] : memref<2x80x80xf32, #tpu.memory_space<vmem>> -> memref<1x80x80xf32, #tpu.memory_space<vmem>>
        %dma_start3A_185 = tpu.memref_squeeze %dma_start3A_184 : memref<1x80x80xf32, #tpu.memory_space<vmem>> -> memref<80x80xf32, #tpu.memory_space<vmem>>
        %dma_start3A_186 = arith.constant 0 : i32
        %dma_start3A_187 = tpu.memref_slice %arg7[%add3A_180, %dma_start3A_186] : memref<266x80xi32, #tpu.memory_space<vmem>> -> memref<1x80xi32, #tpu.memory_space<vmem>>
        %dma_start3A_188 = tpu.memref_squeeze %dma_start3A_187 : memref<1x80xi32, #tpu.memory_space<vmem>> -> memref<80xi32, #tpu.memory_space<vmem>>
        %dma_start3A_189 = arith.constant 0 : i32
        %dma_start3A_190 = arith.constant 0 : i32
        %dma_start3A_191 = tpu.memref_slice %arg2[%arg0, %dma_start3A_189, %dma_start3A_190] : memref<2x12288x80xf32, #tpu.memory_space<hbm>> -> memref<1x12288x80xf32, #tpu.memory_space<hbm>>
        %dma_start3A_192 = tpu.memref_squeeze %dma_start3A_191 : memref<1x12288x80xf32, #tpu.memory_space<hbm>> -> memref<12288x80xf32, #tpu.memory_space<hbm>>
        %dma_start3A_193 = arith.constant 0 : i32
        %dma_start3A_194 = arith.constant 0 : i32
        %dma_start3A_195 = tpu.memref_slice %dma_start3A_192[%dma_start3A_193, %dma_start3A_194] : memref<12288x80xf32, #tpu.memory_space<hbm>> -> memref<12288x80xf32, #tpu.memory_space<hbm>>
        tpu.enqueue_indirect_dma source(%dma_start3A_195 : memref<12288x80xf32, #tpu.memory_space<hbm>>) target(%dma_start3A_185 : memref<80x80xf32, #tpu.memory_space<vmem>>) offsets(%dma_start3A_188 : memref<80xi32, #tpu.memory_space<vmem>>) semaphore(%arg12 : memref<!tpu.dma_semaphore, #tpu.memory_space<semaphore_mem>>)
      } else {
      }
    }
    %scan3A_64 = arith.constant 133 : i32
    %dma_wait3A = arith.constant 0 : i32
    %dma_wait3A_65 = arith.constant 0 : i32
    %dma_wait3A_66 = arith.constant 0 : i32
    %dma_wait3A_67 = arith.constant 0 : i32
    %dma_wait3A_68 = tpu.memref_slice %arg9[%dma_wait3A, %dma_wait3A_66, %dma_wait3A_67] : memref<2x80x80xf32, #tpu.memory_space<vmem>> -> memref<1x80x80xf32, #tpu.memory_space<vmem>>
    %dma_wait3A_69 = tpu.memref_squeeze %dma_wait3A_68 : memref<1x80x80xf32, #tpu.memory_space<vmem>> -> memref<80x80xf32, #tpu.memory_space<vmem>>
    %dma_wait3A_70 = arith.constant 0 : i32
    %dma_wait3A_71 = tpu.memref_slice %arg8[%dma_wait3A_65, %dma_wait3A_70] : memref<266x80xi32, #tpu.memory_space<vmem>> -> memref<1x80xi32, #tpu.memory_space<vmem>>
    %dma_wait3A_72 = tpu.memref_squeeze %dma_wait3A_71 : memref<1x80xi32, #tpu.memory_space<vmem>> -> memref<80xi32, #tpu.memory_space<vmem>>
    %dma_wait3A_73 = arith.constant 0 : i32
    %dma_wait3A_74 = arith.constant 0 : i32
    %dma_wait3A_75 = tpu.memref_slice %arg15[%dma_wait3A_73, %dma_wait3A_74] : memref<12288x80xf32, #tpu.memory_space<vmem_shared>> -> memref<12288x80xf32, #tpu.memory_space<vmem_shared>>
    tpu.wait_indirect_dma semaphore(%arg13 : memref<!tpu.dma_semaphore, #tpu.memory_space<semaphore_mem>>) src(%dma_wait3A_69 : memref<80x80xf32, #tpu.memory_space<vmem>>) dst(%dma_wait3A_75 : memref<12288x80xf32, #tpu.memory_space<vmem_shared>>)
    %dma_wait3A_76 = arith.constant 1 : i32
    %dma_wait3A_77 = arith.constant 0 : i32
    %dma_wait3A_78 = arith.constant 0 : i32
    %dma_wait3A_79 = arith.constant 0 : i32
    %dma_wait3A_80 = tpu.memref_slice %arg9[%dma_wait3A_76, %dma_wait3A_78, %dma_wait3A_79] : memref<2x80x80xf32, #tpu.memory_space<vmem>> -> memref<1x80x80xf32, #tpu.memory_space<vmem>>
    %dma_wait3A_81 = tpu.memref_squeeze %dma_wait3A_80 : memref<1x80x80xf32, #tpu.memory_space<vmem>> -> memref<80x80xf32, #tpu.memory_space<vmem>>
    %dma_wait3A_82 = arith.constant 0 : i32
    %dma_wait3A_83 = tpu.memref_slice %arg8[%dma_wait3A_77, %dma_wait3A_82] : memref<266x80xi32, #tpu.memory_space<vmem>> -> memref<1x80xi32, #tpu.memory_space<vmem>>
    %dma_wait3A_84 = tpu.memref_squeeze %dma_wait3A_83 : memref<1x80xi32, #tpu.memory_space<vmem>> -> memref<80xi32, #tpu.memory_space<vmem>>
    %dma_wait3A_85 = arith.constant 0 : i32
    %dma_wait3A_86 = arith.constant 0 : i32
    %dma_wait3A_87 = tpu.memref_slice %arg15[%dma_wait3A_85, %dma_wait3A_86] : memref<12288x80xf32, #tpu.memory_space<vmem_shared>> -> memref<12288x80xf32, #tpu.memory_space<vmem_shared>>
    tpu.wait_indirect_dma semaphore(%arg14 : memref<!tpu.dma_semaphore, #tpu.memory_space<semaphore_mem>>) src(%dma_wait3A_81 : memref<80x80xf32, #tpu.memory_space<vmem>>) dst(%dma_wait3A_87 : memref<12288x80xf32, #tpu.memory_space<vmem_shared>>)
    %barrier3A_88 = arith.constant 0 : index
    tpu.barrier barrier_id(%barrier3A_88)
    %mul3A_89 = arith.constant 768 : i32
    %mul3A_90 = arith.muli %arg1, %mul3A_89 : i32
    %mul3A_91 = arith.constant 768 : i32
    %mul3A_92 = arith.muli %arg1, %mul3A_91 : i32
    "tpu.region"() ({
      %run_scoped3A = tpu.sem_alloc : memref<!tpu.dma_semaphore, #tpu.memory_space<semaphore_mem>>
      %dma_start3A_93 = arith.constant 0 : i32
      %dma_start3A_94 = tpu.memref_slice %arg6[%arg0, %mul3A_92, %dma_start3A_93] : memref<2x12288x80xf32, #tpu.memory_space<hbm>> -> memref<1x768x80xf32, #tpu.memory_space<hbm>>
      %dma_start3A_95 = tpu.memref_squeeze %dma_start3A_94 : memref<1x768x80xf32, #tpu.memory_space<hbm>> -> memref<768x80xf32, #tpu.memory_space<hbm>>
      %dma_start3A_96 = arith.constant 0 : i32
      %dma_start3A_97 = tpu.memref_slice %arg15[%mul3A_90, %dma_start3A_96] : memref<12288x80xf32, #tpu.memory_space<vmem_shared>> -> memref<768x80xf32, #tpu.memory_space<vmem_shared>>
      tpu.enqueue_dma source(%dma_start3A_97 : memref<768x80xf32, #tpu.memory_space<vmem_shared>>) target(%dma_start3A_95 : memref<768x80xf32, #tpu.memory_space<hbm>>) target_semaphore(%run_scoped3A : memref<!tpu.dma_semaphore, #tpu.memory_space<semaphore_mem>>)
      %dma_wait3A_98 = arith.constant 0 : i32
      %dma_wait3A_99 = tpu.memref_slice %arg6[%arg0, %mul3A_92, %dma_wait3A_98] : memref<2x12288x80xf32, #tpu.memory_space<hbm>> -> memref<1x768x80xf32, #tpu.memory_space<hbm>>
      %dma_wait3A_100 = tpu.memref_squeeze %dma_wait3A_99 : memref<1x768x80xf32, #tpu.memory_space<hbm>> -> memref<768x80xf32, #tpu.memory_space<hbm>>
      %dma_wait3A_101 = arith.constant 0 : i32
      %dma_wait3A_102 = tpu.memref_slice %arg15[%mul3A_90, %dma_wait3A_101] : memref<12288x80xf32, #tpu.memory_space<vmem_shared>> -> memref<768x80xf32, #tpu.memory_space<vmem_shared>>
      tpu.wait_dma2 semaphore(%run_scoped3A : memref<!tpu.dma_semaphore, #tpu.memory_space<semaphore_mem>>) src(%dma_wait3A_102 : memref<768x80xf32, #tpu.memory_space<vmem_shared>>) dst(%dma_wait3A_100 : memref<768x80xf32, #tpu.memory_space<hbm>>)
      tpu.yield
    }) : () -> ()
    return
  }
}

#map = affine_map<(d0, d1) -> (0, 0, 0)>
#map1 = affine_map<(d0, d1) -> (0, 0)>
module attributes {stable_mosaic.version = 14 : i64} {
  func.func @_segsum_body(%arg0: i32, %arg1: i32, %arg2: memref<2x12288x80xf32, #tpu.memory_space<hbm>>, %arg3: memref<16x266x80xi32, #tpu.memory_space<hbm>>, %arg4: memref<16x266x80xi32, #tpu.memory_space<hbm>>, %arg5: memref<96x80xf32, #tpu.memory_space<hbm>>, %arg6: memref<2x12288x80xf32, #tpu.memory_space<hbm>>, %arg7: memref<266x80xi32, #tpu.memory_space<vmem>>, %arg8: memref<266x80xi32, #tpu.memory_space<vmem>>, %arg9: memref<2x80x80xf32, #tpu.memory_space<vmem>>, %arg10: memref<96x80xf32, #tpu.memory_space<vmem>>, %arg11: memref<!tpu.dma_semaphore, #tpu.memory_space<semaphore_mem>>, %arg12: memref<!tpu.dma_semaphore, #tpu.memory_space<semaphore_mem>>, %arg13: memref<!tpu.dma_semaphore, #tpu.memory_space<semaphore_mem>>, %arg14: memref<!tpu.dma_semaphore, #tpu.memory_space<semaphore_mem>>, %arg15: memref<12288x80xf32, #tpu.memory_space<vmem_shared>>) attributes {dimension_semantics = [#tpu.dimension_semantics<core_parallel>, #tpu.dimension_semantics<subcore_parallel>], iteration_bounds = array<i64: 2, 16>, scalar_prefetch = 0 : i64, scratch_operands = 9 : i64, tpu.core_type = #tpu.core_type<sc_vector_subcore>, window_params = [{transform_indices = #map}, {transform_indices = #map}, {transform_indices = #map}, {transform_indices = #map1}, {transform_indices = #map}]} {
    "tpu.region"() ({
      %run_scoped3A = tpu.sem_alloc : memref<!tpu.dma_semaphore, #tpu.memory_space<semaphore_mem>>
      tpu.enqueue_dma source(%arg5 : memref<96x80xf32, #tpu.memory_space<hbm>>) target(%arg10 : memref<96x80xf32, #tpu.memory_space<vmem>>) target_semaphore(%run_scoped3A : memref<!tpu.dma_semaphore, #tpu.memory_space<semaphore_mem>>)
      tpu.wait_dma2 semaphore(%run_scoped3A : memref<!tpu.dma_semaphore, #tpu.memory_space<semaphore_mem>>) src(%arg5 : memref<96x80xf32, #tpu.memory_space<hbm>>) dst(%arg10 : memref<96x80xf32, #tpu.memory_space<vmem>>)
      tpu.yield
    }) : () -> ()
    "tpu.region"() ({
      %run_scoped3A = tpu.sem_alloc : memref<!tpu.dma_semaphore, #tpu.memory_space<semaphore_mem>>
      %dma_start3A_93 = arith.constant 0 : i32
      %dma_start3A_94 = arith.constant 0 : i32
      %dma_start3A_95 = tpu.memref_slice %arg3[%arg1, %dma_start3A_93, %dma_start3A_94] : memref<16x266x80xi32, #tpu.memory_space<hbm>> -> memref<1x266x80xi32, #tpu.memory_space<hbm>>
      %dma_start3A_96 = tpu.memref_squeeze %dma_start3A_95 : memref<1x266x80xi32, #tpu.memory_space<hbm>> -> memref<266x80xi32, #tpu.memory_space<hbm>>
      %dma_start3A_97 = arith.constant 0 : i32
      %dma_start3A_98 = arith.constant 0 : i32
      %dma_start3A_99 = tpu.memref_slice %arg3[%arg1, %dma_start3A_97, %dma_start3A_98] : memref<16x266x80xi32, #tpu.memory_space<hbm>> -> memref<1x266x80xi32, #tpu.memory_space<hbm>>
      %dma_start3A_100 = tpu.memref_squeeze %dma_start3A_99 : memref<1x266x80xi32, #tpu.memory_space<hbm>> -> memref<266x80xi32, #tpu.memory_space<hbm>>
      tpu.enqueue_dma source(%dma_start3A_100 : memref<266x80xi32, #tpu.memory_space<hbm>>) target(%arg7 : memref<266x80xi32, #tpu.memory_space<vmem>>) target_semaphore(%run_scoped3A : memref<!tpu.dma_semaphore, #tpu.memory_space<semaphore_mem>>)
      %dma_wait3A_101 = arith.constant 0 : i32
      %dma_wait3A_102 = arith.constant 0 : i32
      %dma_wait3A_103 = tpu.memref_slice %arg3[%arg1, %dma_wait3A_101, %dma_wait3A_102] : memref<16x266x80xi32, #tpu.memory_space<hbm>> -> memref<1x266x80xi32, #tpu.memory_space<hbm>>
      %dma_wait3A_104 = tpu.memref_squeeze %dma_wait3A_103 : memref<1x266x80xi32, #tpu.memory_space<hbm>> -> memref<266x80xi32, #tpu.memory_space<hbm>>
      %dma_wait3A_105 = arith.constant 0 : i32
      %dma_wait3A_106 = arith.constant 0 : i32
      %dma_wait3A_107 = tpu.memref_slice %arg3[%arg1, %dma_wait3A_105, %dma_wait3A_106] : memref<16x266x80xi32, #tpu.memory_space<hbm>> -> memref<1x266x80xi32, #tpu.memory_space<hbm>>
      %dma_wait3A_108 = tpu.memref_squeeze %dma_wait3A_107 : memref<1x266x80xi32, #tpu.memory_space<hbm>> -> memref<266x80xi32, #tpu.memory_space<hbm>>
      tpu.wait_dma2 semaphore(%run_scoped3A : memref<!tpu.dma_semaphore, #tpu.memory_space<semaphore_mem>>) src(%dma_wait3A_108 : memref<266x80xi32, #tpu.memory_space<hbm>>) dst(%arg7 : memref<266x80xi32, #tpu.memory_space<vmem>>)
      tpu.yield
    }) : () -> ()
    "tpu.region"() ({
      %run_scoped3A = tpu.sem_alloc : memref<!tpu.dma_semaphore, #tpu.memory_space<semaphore_mem>>
      %dma_start3A_93 = arith.constant 0 : i32
      %dma_start3A_94 = arith.constant 0 : i32
      %dma_start3A_95 = tpu.memref_slice %arg4[%arg1, %dma_start3A_93, %dma_start3A_94] : memref<16x266x80xi32, #tpu.memory_space<hbm>> -> memref<1x266x80xi32, #tpu.memory_space<hbm>>
      %dma_start3A_96 = tpu.memref_squeeze %dma_start3A_95 : memref<1x266x80xi32, #tpu.memory_space<hbm>> -> memref<266x80xi32, #tpu.memory_space<hbm>>
      %dma_start3A_97 = arith.constant 0 : i32
      %dma_start3A_98 = arith.constant 0 : i32
      %dma_start3A_99 = tpu.memref_slice %arg4[%arg1, %dma_start3A_97, %dma_start3A_98] : memref<16x266x80xi32, #tpu.memory_space<hbm>> -> memref<1x266x80xi32, #tpu.memory_space<hbm>>
      %dma_start3A_100 = tpu.memref_squeeze %dma_start3A_99 : memref<1x266x80xi32, #tpu.memory_space<hbm>> -> memref<266x80xi32, #tpu.memory_space<hbm>>
      tpu.enqueue_dma source(%dma_start3A_100 : memref<266x80xi32, #tpu.memory_space<hbm>>) target(%arg8 : memref<266x80xi32, #tpu.memory_space<vmem>>) target_semaphore(%run_scoped3A : memref<!tpu.dma_semaphore, #tpu.memory_space<semaphore_mem>>)
      %dma_wait3A_101 = arith.constant 0 : i32
      %dma_wait3A_102 = arith.constant 0 : i32
      %dma_wait3A_103 = tpu.memref_slice %arg4[%arg1, %dma_wait3A_101, %dma_wait3A_102] : memref<16x266x80xi32, #tpu.memory_space<hbm>> -> memref<1x266x80xi32, #tpu.memory_space<hbm>>
      %dma_wait3A_104 = tpu.memref_squeeze %dma_wait3A_103 : memref<1x266x80xi32, #tpu.memory_space<hbm>> -> memref<266x80xi32, #tpu.memory_space<hbm>>
      %dma_wait3A_105 = arith.constant 0 : i32
      %dma_wait3A_106 = arith.constant 0 : i32
      %dma_wait3A_107 = tpu.memref_slice %arg4[%arg1, %dma_wait3A_105, %dma_wait3A_106] : memref<16x266x80xi32, #tpu.memory_space<hbm>> -> memref<1x266x80xi32, #tpu.memory_space<hbm>>
      %dma_wait3A_108 = tpu.memref_squeeze %dma_wait3A_107 : memref<1x266x80xi32, #tpu.memory_space<hbm>> -> memref<266x80xi32, #tpu.memory_space<hbm>>
      tpu.wait_dma2 semaphore(%run_scoped3A : memref<!tpu.dma_semaphore, #tpu.memory_space<semaphore_mem>>) src(%dma_wait3A_108 : memref<266x80xi32, #tpu.memory_space<hbm>>) dst(%arg8 : memref<266x80xi32, #tpu.memory_space<vmem>>)
      tpu.yield
    }) : () -> ()
    %mul3A = arith.constant 768 : i32
    %mul3A_0 = arith.muli %arg1, %mul3A : i32
    %add3A = arith.constant 0 : i32
    %add3A_1 = arith.addi %mul3A_0, %add3A : i32
    "tpu.region"() ({
      %run_scoped3A = tpu.sem_alloc : memref<!tpu.dma_semaphore, #tpu.memory_space<semaphore_mem>>
      %dma_start3A_93 = arith.constant 0 : i32
      %dma_start3A_94 = tpu.memref_slice %arg15[%add3A_1, %dma_start3A_93] : memref<12288x80xf32, #tpu.memory_space<vmem_shared>> -> memref<96x80xf32, #tpu.memory_space<vmem_shared>>
      %dma_start3A_95 = arith.constant 0 : i32
      %dma_start3A_96 = tpu.memref_slice %arg15[%add3A_1, %dma_start3A_95] : memref<12288x80xf32, #tpu.memory_space<vmem_shared>> -> memref<96x80xf32, #tpu.memory_space<vmem_shared>>
      tpu.enqueue_dma source(%arg10 : memref<96x80xf32, #tpu.memory_space<vmem>>) target(%dma_start3A_96 : memref<96x80xf32, #tpu.memory_space<vmem_shared>>) target_semaphore(%run_scoped3A : memref<!tpu.dma_semaphore, #tpu.memory_space<semaphore_mem>>)
      %dma_wait3A_97 = arith.constant 0 : i32
      %dma_wait3A_98 = tpu.memref_slice %arg15[%add3A_1, %dma_wait3A_97] : memref<12288x80xf32, #tpu.memory_space<vmem_shared>> -> memref<96x80xf32, #tpu.memory_space<vmem_shared>>
      %dma_wait3A_99 = arith.constant 0 : i32
      %dma_wait3A_100 = tpu.memref_slice %arg15[%add3A_1, %dma_wait3A_99] : memref<12288x80xf32, #tpu.memory_space<vmem_shared>> -> memref<96x80xf32, #tpu.memory_space<vmem_shared>>
      tpu.wait_dma2 semaphore(%run_scoped3A : memref<!tpu.dma_semaphore, #tpu.memory_space<semaphore_mem>>) src(%arg10 : memref<96x80xf32, #tpu.memory_space<vmem>>) dst(%dma_wait3A_100 : memref<96x80xf32, #tpu.memory_space<vmem_shared>>)
      tpu.yield
    }) : () -> ()
    %mul3A_2 = arith.constant 768 : i32
    %mul3A_3 = arith.muli %arg1, %mul3A_2 : i32
    %add3A_4 = arith.constant 96 : i32
    %add3A_5 = arith.addi %mul3A_3, %add3A_4 : i32
    "tpu.region"() ({
      %run_scoped3A = tpu.sem_alloc : memref<!tpu.dma_semaphore, #tpu.memory_space<semaphore_mem>>
      %dma_start3A_93 = arith.constant 0 : i32
      %dma_start3A_94 = tpu.memref_slice %arg15[%add3A_5, %dma_start3A_93] : memref<12288x80xf32, #tpu.memory_space<vmem_shared>> -> memref<96x80xf32, #tpu.memory_space<vmem_shared>>
      %dma_start3A_95 = arith.constant 0 : i32
      %dma_start3A_96 = tpu.memref_slice %arg15[%add3A_5, %dma_start3A_95] : memref<12288x80xf32, #tpu.memory_space<vmem_shared>> -> memref<96x80xf32, #tpu.memory_space<vmem_shared>>
      tpu.enqueue_dma source(%arg10 : memref<96x80xf32, #tpu.memory_space<vmem>>) target(%dma_start3A_96 : memref<96x80xf32, #tpu.memory_space<vmem_shared>>) target_semaphore(%run_scoped3A : memref<!tpu.dma_semaphore, #tpu.memory_space<semaphore_mem>>)
      %dma_wait3A_97 = arith.constant 0 : i32
      %dma_wait3A_98 = tpu.memref_slice %arg15[%add3A_5, %dma_wait3A_97] : memref<12288x80xf32, #tpu.memory_space<vmem_shared>> -> memref<96x80xf32, #tpu.memory_space<vmem_shared>>
      %dma_wait3A_99 = arith.constant 0 : i32
      %dma_wait3A_100 = tpu.memref_slice %arg15[%add3A_5, %dma_wait3A_99] : memref<12288x80xf32, #tpu.memory_space<vmem_shared>> -> memref<96x80xf32, #tpu.memory_space<vmem_shared>>
      tpu.wait_dma2 semaphore(%run_scoped3A : memref<!tpu.dma_semaphore, #tpu.memory_space<semaphore_mem>>) src(%arg10 : memref<96x80xf32, #tpu.memory_space<vmem>>) dst(%dma_wait3A_100 : memref<96x80xf32, #tpu.memory_space<vmem_shared>>)
      tpu.yield
    }) : () -> ()
    %mul3A_6 = arith.constant 768 : i32
    %mul3A_7 = arith.muli %arg1, %mul3A_6 : i32
    %add3A_8 = arith.constant 192 : i32
    %add3A_9 = arith.addi %mul3A_7, %add3A_8 : i32
    "tpu.region"() ({
      %run_scoped3A = tpu.sem_alloc : memref<!tpu.dma_semaphore, #tpu.memory_space<semaphore_mem>>
      %dma_start3A_93 = arith.constant 0 : i32
      %dma_start3A_94 = tpu.memref_slice %arg15[%add3A_9, %dma_start3A_93] : memref<12288x80xf32, #tpu.memory_space<vmem_shared>> -> memref<96x80xf32, #tpu.memory_space<vmem_shared>>
      %dma_start3A_95 = arith.constant 0 : i32
      %dma_start3A_96 = tpu.memref_slice %arg15[%add3A_9, %dma_start3A_95] : memref<12288x80xf32, #tpu.memory_space<vmem_shared>> -> memref<96x80xf32, #tpu.memory_space<vmem_shared>>
      tpu.enqueue_dma source(%arg10 : memref<96x80xf32, #tpu.memory_space<vmem>>) target(%dma_start3A_96 : memref<96x80xf32, #tpu.memory_space<vmem_shared>>) target_semaphore(%run_scoped3A : memref<!tpu.dma_semaphore, #tpu.memory_space<semaphore_mem>>)
      %dma_wait3A_97 = arith.constant 0 : i32
      %dma_wait3A_98 = tpu.memref_slice %arg15[%add3A_9, %dma_wait3A_97] : memref<12288x80xf32, #tpu.memory_space<vmem_shared>> -> memref<96x80xf32, #tpu.memory_space<vmem_shared>>
      %dma_wait3A_99 = arith.constant 0 : i32
      %dma_wait3A_100 = tpu.memref_slice %arg15[%add3A_9, %dma_wait3A_99] : memref<12288x80xf32, #tpu.memory_space<vmem_shared>> -> memref<96x80xf32, #tpu.memory_space<vmem_shared>>
      tpu.wait_dma2 semaphore(%run_scoped3A : memref<!tpu.dma_semaphore, #tpu.memory_space<semaphore_mem>>) src(%arg10 : memref<96x80xf32, #tpu.memory_space<vmem>>) dst(%dma_wait3A_100 : memref<96x80xf32, #tpu.memory_space<vmem_shared>>)
      tpu.yield
    }) : () -> ()
    %mul3A_10 = arith.constant 768 : i32
    %mul3A_11 = arith.muli %arg1, %mul3A_10 : i32
    %add3A_12 = arith.constant 288 : i32
    %add3A_13 = arith.addi %mul3A_11, %add3A_12 : i32
    "tpu.region"() ({
      %run_scoped3A = tpu.sem_alloc : memref<!tpu.dma_semaphore, #tpu.memory_space<semaphore_mem>>
      %dma_start3A_93 = arith.constant 0 : i32
      %dma_start3A_94 = tpu.memref_slice %arg15[%add3A_13, %dma_start3A_93] : memref<12288x80xf32, #tpu.memory_space<vmem_shared>> -> memref<96x80xf32, #tpu.memory_space<vmem_shared>>
      %dma_start3A_95 = arith.constant 0 : i32
      %dma_start3A_96 = tpu.memref_slice %arg15[%add3A_13, %dma_start3A_95] : memref<12288x80xf32, #tpu.memory_space<vmem_shared>> -> memref<96x80xf32, #tpu.memory_space<vmem_shared>>
      tpu.enqueue_dma source(%arg10 : memref<96x80xf32, #tpu.memory_space<vmem>>) target(%dma_start3A_96 : memref<96x80xf32, #tpu.memory_space<vmem_shared>>) target_semaphore(%run_scoped3A : memref<!tpu.dma_semaphore, #tpu.memory_space<semaphore_mem>>)
      %dma_wait3A_97 = arith.constant 0 : i32
      %dma_wait3A_98 = tpu.memref_slice %arg15[%add3A_13, %dma_wait3A_97] : memref<12288x80xf32, #tpu.memory_space<vmem_shared>> -> memref<96x80xf32, #tpu.memory_space<vmem_shared>>
      %dma_wait3A_99 = arith.constant 0 : i32
      %dma_wait3A_100 = tpu.memref_slice %arg15[%add3A_13, %dma_wait3A_99] : memref<12288x80xf32, #tpu.memory_space<vmem_shared>> -> memref<96x80xf32, #tpu.memory_space<vmem_shared>>
      tpu.wait_dma2 semaphore(%run_scoped3A : memref<!tpu.dma_semaphore, #tpu.memory_space<semaphore_mem>>) src(%arg10 : memref<96x80xf32, #tpu.memory_space<vmem>>) dst(%dma_wait3A_100 : memref<96x80xf32, #tpu.memory_space<vmem_shared>>)
      tpu.yield
    }) : () -> ()
    %mul3A_14 = arith.constant 768 : i32
    %mul3A_15 = arith.muli %arg1, %mul3A_14 : i32
    %add3A_16 = arith.constant 384 : i32
    %add3A_17 = arith.addi %mul3A_15, %add3A_16 : i32
    "tpu.region"() ({
      %run_scoped3A = tpu.sem_alloc : memref<!tpu.dma_semaphore, #tpu.memory_space<semaphore_mem>>
      %dma_start3A_93 = arith.constant 0 : i32
      %dma_start3A_94 = tpu.memref_slice %arg15[%add3A_17, %dma_start3A_93] : memref<12288x80xf32, #tpu.memory_space<vmem_shared>> -> memref<96x80xf32, #tpu.memory_space<vmem_shared>>
      %dma_start3A_95 = arith.constant 0 : i32
      %dma_start3A_96 = tpu.memref_slice %arg15[%add3A_17, %dma_start3A_95] : memref<12288x80xf32, #tpu.memory_space<vmem_shared>> -> memref<96x80xf32, #tpu.memory_space<vmem_shared>>
      tpu.enqueue_dma source(%arg10 : memref<96x80xf32, #tpu.memory_space<vmem>>) target(%dma_start3A_96 : memref<96x80xf32, #tpu.memory_space<vmem_shared>>) target_semaphore(%run_scoped3A : memref<!tpu.dma_semaphore, #tpu.memory_space<semaphore_mem>>)
      %dma_wait3A_97 = arith.constant 0 : i32
      %dma_wait3A_98 = tpu.memref_slice %arg15[%add3A_17, %dma_wait3A_97] : memref<12288x80xf32, #tpu.memory_space<vmem_shared>> -> memref<96x80xf32, #tpu.memory_space<vmem_shared>>
      %dma_wait3A_99 = arith.constant 0 : i32
      %dma_wait3A_100 = tpu.memref_slice %arg15[%add3A_17, %dma_wait3A_99] : memref<12288x80xf32, #tpu.memory_space<vmem_shared>> -> memref<96x80xf32, #tpu.memory_space<vmem_shared>>
      tpu.wait_dma2 semaphore(%run_scoped3A : memref<!tpu.dma_semaphore, #tpu.memory_space<semaphore_mem>>) src(%arg10 : memref<96x80xf32, #tpu.memory_space<vmem>>) dst(%dma_wait3A_100 : memref<96x80xf32, #tpu.memory_space<vmem_shared>>)
      tpu.yield
    }) : () -> ()
    %mul3A_18 = arith.constant 768 : i32
    %mul3A_19 = arith.muli %arg1, %mul3A_18 : i32
    %add3A_20 = arith.constant 480 : i32
    %add3A_21 = arith.addi %mul3A_19, %add3A_20 : i32
    "tpu.region"() ({
      %run_scoped3A = tpu.sem_alloc : memref<!tpu.dma_semaphore, #tpu.memory_space<semaphore_mem>>
      %dma_start3A_93 = arith.constant 0 : i32
      %dma_start3A_94 = tpu.memref_slice %arg15[%add3A_21, %dma_start3A_93] : memref<12288x80xf32, #tpu.memory_space<vmem_shared>> -> memref<96x80xf32, #tpu.memory_space<vmem_shared>>
      %dma_start3A_95 = arith.constant 0 : i32
      %dma_start3A_96 = tpu.memref_slice %arg15[%add3A_21, %dma_start3A_95] : memref<12288x80xf32, #tpu.memory_space<vmem_shared>> -> memref<96x80xf32, #tpu.memory_space<vmem_shared>>
      tpu.enqueue_dma source(%arg10 : memref<96x80xf32, #tpu.memory_space<vmem>>) target(%dma_start3A_96 : memref<96x80xf32, #tpu.memory_space<vmem_shared>>) target_semaphore(%run_scoped3A : memref<!tpu.dma_semaphore, #tpu.memory_space<semaphore_mem>>)
      %dma_wait3A_97 = arith.constant 0 : i32
      %dma_wait3A_98 = tpu.memref_slice %arg15[%add3A_21, %dma_wait3A_97] : memref<12288x80xf32, #tpu.memory_space<vmem_shared>> -> memref<96x80xf32, #tpu.memory_space<vmem_shared>>
      %dma_wait3A_99 = arith.constant 0 : i32
      %dma_wait3A_100 = tpu.memref_slice %arg15[%add3A_21, %dma_wait3A_99] : memref<12288x80xf32, #tpu.memory_space<vmem_shared>> -> memref<96x80xf32, #tpu.memory_space<vmem_shared>>
      tpu.wait_dma2 semaphore(%run_scoped3A : memref<!tpu.dma_semaphore, #tpu.memory_space<semaphore_mem>>) src(%arg10 : memref<96x80xf32, #tpu.memory_space<vmem>>) dst(%dma_wait3A_100 : memref<96x80xf32, #tpu.memory_space<vmem_shared>>)
      tpu.yield
    }) : () -> ()
    %mul3A_22 = arith.constant 768 : i32
    %mul3A_23 = arith.muli %arg1, %mul3A_22 : i32
    %add3A_24 = arith.constant 576 : i32
    %add3A_25 = arith.addi %mul3A_23, %add3A_24 : i32
    "tpu.region"() ({
      %run_scoped3A = tpu.sem_alloc : memref<!tpu.dma_semaphore, #tpu.memory_space<semaphore_mem>>
      %dma_start3A_93 = arith.constant 0 : i32
      %dma_start3A_94 = tpu.memref_slice %arg15[%add3A_25, %dma_start3A_93] : memref<12288x80xf32, #tpu.memory_space<vmem_shared>> -> memref<96x80xf32, #tpu.memory_space<vmem_shared>>
      %dma_start3A_95 = arith.constant 0 : i32
      %dma_start3A_96 = tpu.memref_slice %arg15[%add3A_25, %dma_start3A_95] : memref<12288x80xf32, #tpu.memory_space<vmem_shared>> -> memref<96x80xf32, #tpu.memory_space<vmem_shared>>
      tpu.enqueue_dma source(%arg10 : memref<96x80xf32, #tpu.memory_space<vmem>>) target(%dma_start3A_96 : memref<96x80xf32, #tpu.memory_space<vmem_shared>>) target_semaphore(%run_scoped3A : memref<!tpu.dma_semaphore, #tpu.memory_space<semaphore_mem>>)
      %dma_wait3A_97 = arith.constant 0 : i32
      %dma_wait3A_98 = tpu.memref_slice %arg15[%add3A_25, %dma_wait3A_97] : memref<12288x80xf32, #tpu.memory_space<vmem_shared>> -> memref<96x80xf32, #tpu.memory_space<vmem_shared>>
      %dma_wait3A_99 = arith.constant 0 : i32
      %dma_wait3A_100 = tpu.memref_slice %arg15[%add3A_25, %dma_wait3A_99] : memref<12288x80xf32, #tpu.memory_space<vmem_shared>> -> memref<96x80xf32, #tpu.memory_space<vmem_shared>>
      tpu.wait_dma2 semaphore(%run_scoped3A : memref<!tpu.dma_semaphore, #tpu.memory_space<semaphore_mem>>) src(%arg10 : memref<96x80xf32, #tpu.memory_space<vmem>>) dst(%dma_wait3A_100 : memref<96x80xf32, #tpu.memory_space<vmem_shared>>)
      tpu.yield
    }) : () -> ()
    %mul3A_26 = arith.constant 768 : i32
    %mul3A_27 = arith.muli %arg1, %mul3A_26 : i32
    %add3A_28 = arith.constant 672 : i32
    %add3A_29 = arith.addi %mul3A_27, %add3A_28 : i32
    "tpu.region"() ({
      %run_scoped3A = tpu.sem_alloc : memref<!tpu.dma_semaphore, #tpu.memory_space<semaphore_mem>>
      %dma_start3A_93 = arith.constant 0 : i32
      %dma_start3A_94 = tpu.memref_slice %arg15[%add3A_29, %dma_start3A_93] : memref<12288x80xf32, #tpu.memory_space<vmem_shared>> -> memref<96x80xf32, #tpu.memory_space<vmem_shared>>
      %dma_start3A_95 = arith.constant 0 : i32
      %dma_start3A_96 = tpu.memref_slice %arg15[%add3A_29, %dma_start3A_95] : memref<12288x80xf32, #tpu.memory_space<vmem_shared>> -> memref<96x80xf32, #tpu.memory_space<vmem_shared>>
      tpu.enqueue_dma source(%arg10 : memref<96x80xf32, #tpu.memory_space<vmem>>) target(%dma_start3A_96 : memref<96x80xf32, #tpu.memory_space<vmem_shared>>) target_semaphore(%run_scoped3A : memref<!tpu.dma_semaphore, #tpu.memory_space<semaphore_mem>>)
      %dma_wait3A_97 = arith.constant 0 : i32
      %dma_wait3A_98 = tpu.memref_slice %arg15[%add3A_29, %dma_wait3A_97] : memref<12288x80xf32, #tpu.memory_space<vmem_shared>> -> memref<96x80xf32, #tpu.memory_space<vmem_shared>>
      %dma_wait3A_99 = arith.constant 0 : i32
      %dma_wait3A_100 = tpu.memref_slice %arg15[%add3A_29, %dma_wait3A_99] : memref<12288x80xf32, #tpu.memory_space<vmem_shared>> -> memref<96x80xf32, #tpu.memory_space<vmem_shared>>
      tpu.wait_dma2 semaphore(%run_scoped3A : memref<!tpu.dma_semaphore, #tpu.memory_space<semaphore_mem>>) src(%arg10 : memref<96x80xf32, #tpu.memory_space<vmem>>) dst(%dma_wait3A_100 : memref<96x80xf32, #tpu.memory_space<vmem_shared>>)
      tpu.yield
    }) : () -> ()
    %barrier3A = arith.constant 0 : index
    tpu.barrier barrier_id(%barrier3A)
    %dma_start3A = arith.constant 0 : i32
    %dma_start3A_30 = arith.constant 0 : i32
    %dma_start3A_31 = arith.constant 0 : i32
    %dma_start3A_32 = arith.constant 0 : i32
    %dma_start3A_33 = tpu.memref_slice %arg9[%dma_start3A_30, %dma_start3A_31, %dma_start3A_32] : memref<2x80x80xf32, #tpu.memory_space<vmem>> -> memref<1x80x80xf32, #tpu.memory_space<vmem>>
    %dma_start3A_34 = tpu.memref_squeeze %dma_start3A_33 : memref<1x80x80xf32, #tpu.memory_space<vmem>> -> memref<80x80xf32, #tpu.memory_space<vmem>>
    %dma_start3A_35 = arith.constant 0 : i32
    %dma_start3A_36 = tpu.memref_slice %arg7[%dma_start3A, %dma_start3A_35] : memref<266x80xi32, #tpu.memory_space<vmem>> -> memref<1x80xi32, #tpu.memory_space<vmem>>
    %dma_start3A_37 = tpu.memref_squeeze %dma_start3A_36 : memref<1x80xi32, #tpu.memory_space<vmem>> -> memref<80xi32, #tpu.memory_space<vmem>>
    %dma_start3A_38 = arith.constant 0 : i32
    %dma_start3A_39 = arith.constant 0 : i32
    %dma_start3A_40 = tpu.memref_slice %arg2[%arg0, %dma_start3A_38, %dma_start3A_39] : memref<2x12288x80xf32, #tpu.memory_space<hbm>> -> memref<1x12288x80xf32, #tpu.memory_space<hbm>>
    %dma_start3A_41 = tpu.memref_squeeze %dma_start3A_40 : memref<1x12288x80xf32, #tpu.memory_space<hbm>> -> memref<12288x80xf32, #tpu.memory_space<hbm>>
    %dma_start3A_42 = arith.constant 0 : i32
    %dma_start3A_43 = arith.constant 0 : i32
    %dma_start3A_44 = tpu.memref_slice %dma_start3A_41[%dma_start3A_42, %dma_start3A_43] : memref<12288x80xf32, #tpu.memory_space<hbm>> -> memref<12288x80xf32, #tpu.memory_space<hbm>>
    tpu.enqueue_indirect_dma source(%dma_start3A_44 : memref<12288x80xf32, #tpu.memory_space<hbm>>) target(%dma_start3A_34 : memref<80x80xf32, #tpu.memory_space<vmem>>) offsets(%dma_start3A_37 : memref<80xi32, #tpu.memory_space<vmem>>) semaphore(%arg11 : memref<!tpu.dma_semaphore, #tpu.memory_space<semaphore_mem>>)
    %dma_start3A_45 = arith.constant 1 : i32
    %dma_start3A_46 = arith.constant 1 : i32
    %dma_start3A_47 = arith.constant 0 : i32
    %dma_start3A_48 = arith.constant 0 : i32
    %dma_start3A_49 = tpu.memref_slice %arg9[%dma_start3A_46, %dma_start3A_47, %dma_start3A_48] : memref<2x80x80xf32, #tpu.memory_space<vmem>> -> memref<1x80x80xf32, #tpu.memory_space<vmem>>
    %dma_start3A_50 = tpu.memref_squeeze %dma_start3A_49 : memref<1x80x80xf32, #tpu.memory_space<vmem>> -> memref<80x80xf32, #tpu.memory_space<vmem>>
    %dma_start3A_51 = arith.constant 0 : i32
    %dma_start3A_52 = tpu.memref_slice %arg7[%dma_start3A_45, %dma_start3A_51] : memref<266x80xi32, #tpu.memory_space<vmem>> -> memref<1x80xi32, #tpu.memory_space<vmem>>
    %dma_start3A_53 = tpu.memref_squeeze %dma_start3A_52 : memref<1x80xi32, #tpu.memory_space<vmem>> -> memref<80xi32, #tpu.memory_space<vmem>>
    %dma_start3A_54 = arith.constant 0 : i32
    %dma_start3A_55 = arith.constant 0 : i32
    %dma_start3A_56 = tpu.memref_slice %arg2[%arg0, %dma_start3A_54, %dma_start3A_55] : memref<2x12288x80xf32, #tpu.memory_space<hbm>> -> memref<1x12288x80xf32, #tpu.memory_space<hbm>>
    %dma_start3A_57 = tpu.memref_squeeze %dma_start3A_56 : memref<1x12288x80xf32, #tpu.memory_space<hbm>> -> memref<12288x80xf32, #tpu.memory_space<hbm>>
    %dma_start3A_58 = arith.constant 0 : i32
    %dma_start3A_59 = arith.constant 0 : i32
    %dma_start3A_60 = tpu.memref_slice %dma_start3A_57[%dma_start3A_58, %dma_start3A_59] : memref<12288x80xf32, #tpu.memory_space<hbm>> -> memref<12288x80xf32, #tpu.memory_space<hbm>>
    tpu.enqueue_indirect_dma source(%dma_start3A_60 : memref<12288x80xf32, #tpu.memory_space<hbm>>) target(%dma_start3A_50 : memref<80x80xf32, #tpu.memory_space<vmem>>) offsets(%dma_start3A_53 : memref<80xi32, #tpu.memory_space<vmem>>) semaphore(%arg12 : memref<!tpu.dma_semaphore, #tpu.memory_space<semaphore_mem>>)
    %scan3A = arith.constant 0 : i32
    %scan3A_61 = arith.constant 133 : i32
    %scan3A_62 = arith.addi %scan3A, %scan3A_61 : i32
    %scan3A_63 = arith.constant 1 : i32
    scf.for %scan3A_93 = %scan3A to %scan3A_62 step %scan3A_63  : i32 {
      %mul3A_94 = arith.constant 2 : i32
      %mul3A_95 = arith.muli %scan3A_93, %mul3A_94 : i32
      %add3A_96 = arith.constant 0 : i32
      %add3A_97 = arith.addi %add3A_96, %mul3A_95 : i32
      %add3A_98 = arith.constant 0 : i32
      %add3A_99 = arith.addi %add3A_97, %add3A_98 : i32
      %dma_wait3A_100 = arith.constant 0 : i32
      %dma_wait3A_101 = arith.constant 0 : i32
      %dma_wait3A_102 = arith.constant 0 : i32
      %dma_wait3A_103 = arith.constant 0 : i32
      %dma_wait3A_104 = tpu.memref_slice %arg9[%dma_wait3A_101, %dma_wait3A_102, %dma_wait3A_103] : memref<2x80x80xf32, #tpu.memory_space<vmem>> -> memref<1x80x80xf32, #tpu.memory_space<vmem>>
      %dma_wait3A_105 = tpu.memref_squeeze %dma_wait3A_104 : memref<1x80x80xf32, #tpu.memory_space<vmem>> -> memref<80x80xf32, #tpu.memory_space<vmem>>
      %dma_wait3A_106 = arith.constant 0 : i32
      %dma_wait3A_107 = tpu.memref_slice %arg7[%dma_wait3A_100, %dma_wait3A_106] : memref<266x80xi32, #tpu.memory_space<vmem>> -> memref<1x80xi32, #tpu.memory_space<vmem>>
      %dma_wait3A_108 = tpu.memref_squeeze %dma_wait3A_107 : memref<1x80xi32, #tpu.memory_space<vmem>> -> memref<80xi32, #tpu.memory_space<vmem>>
      %dma_wait3A_109 = arith.constant 0 : i32
      %dma_wait3A_110 = arith.constant 0 : i32
      %dma_wait3A_111 = tpu.memref_slice %arg2[%arg0, %dma_wait3A_109, %dma_wait3A_110] : memref<2x12288x80xf32, #tpu.memory_space<hbm>> -> memref<1x12288x80xf32, #tpu.memory_space<hbm>>
      %dma_wait3A_112 = tpu.memref_squeeze %dma_wait3A_111 : memref<1x12288x80xf32, #tpu.memory_space<hbm>> -> memref<12288x80xf32, #tpu.memory_space<hbm>>
      %dma_wait3A_113 = arith.constant 0 : i32
      %dma_wait3A_114 = arith.constant 0 : i32
      %dma_wait3A_115 = tpu.memref_slice %dma_wait3A_112[%dma_wait3A_113, %dma_wait3A_114] : memref<12288x80xf32, #tpu.memory_space<hbm>> -> memref<12288x80xf32, #tpu.memory_space<hbm>>
      tpu.wait_indirect_dma semaphore(%arg11 : memref<!tpu.dma_semaphore, #tpu.memory_space<semaphore_mem>>) src(%dma_wait3A_115 : memref<12288x80xf32, #tpu.memory_space<hbm>>) dst(%dma_wait3A_105 : memref<80x80xf32, #tpu.memory_space<vmem>>)
      %dma_start3A_116 = arith.constant 0 : i32
      %dma_start3A_117 = arith.constant 0 : i32
      %dma_start3A_118 = arith.constant 0 : i32
      %dma_start3A_119 = tpu.memref_slice %arg9[%dma_start3A_116, %dma_start3A_117, %dma_start3A_118] : memref<2x80x80xf32, #tpu.memory_space<vmem>> -> memref<1x80x80xf32, #tpu.memory_space<vmem>>
      %dma_start3A_120 = tpu.memref_squeeze %dma_start3A_119 : memref<1x80x80xf32, #tpu.memory_space<vmem>> -> memref<80x80xf32, #tpu.memory_space<vmem>>
      %dma_start3A_121 = arith.constant 0 : i32
      %dma_start3A_122 = tpu.memref_slice %arg8[%add3A_99, %dma_start3A_121] : memref<266x80xi32, #tpu.memory_space<vmem>> -> memref<1x80xi32, #tpu.memory_space<vmem>>
      %dma_start3A_123 = tpu.memref_squeeze %dma_start3A_122 : memref<1x80xi32, #tpu.memory_space<vmem>> -> memref<80xi32, #tpu.memory_space<vmem>>
      %dma_start3A_124 = arith.constant 0 : i32
      %dma_start3A_125 = arith.constant 0 : i32
      %dma_start3A_126 = tpu.memref_slice %arg15[%dma_start3A_124, %dma_start3A_125] : memref<12288x80xf32, #tpu.memory_space<vmem_shared>> -> memref<12288x80xf32, #tpu.memory_space<vmem_shared>>
      tpu.enqueue_indirect_dma source(%dma_start3A_120 : memref<80x80xf32, #tpu.memory_space<vmem>>) target(%dma_start3A_126 : memref<12288x80xf32, #tpu.memory_space<vmem_shared>>) offsets(%dma_start3A_123 : memref<80xi32, #tpu.memory_space<vmem>>) semaphore(%arg13 : memref<!tpu.dma_semaphore, #tpu.memory_space<semaphore_mem>>) {add = true}
      %add3A_127 = arith.constant 2 : i32
      %add3A_128 = arith.addi %add3A_99, %add3A_127 : i32
      %lt3A = arith.constant 266 : i32
      %lt3A_129 = arith.cmpi slt, %add3A_128, %lt3A : i32
      %convert_element_type3A = arith.extui %lt3A_129 : i1 to i32
      %cond3A = arith.constant 0 : i32
      %cond3A_130 = arith.cmpi ne, %convert_element_type3A, %cond3A : i32
      scf.if %cond3A_130 {
        %dma_wait3A_167 = arith.constant 0 : i32
        %dma_wait3A_168 = arith.constant 0 : i32
        %dma_wait3A_169 = arith.constant 0 : i32
        %dma_wait3A_170 = arith.constant 0 : i32
        %dma_wait3A_171 = tpu.memref_slice %arg9[%dma_wait3A_167, %dma_wait3A_169, %dma_wait3A_170] : memref<2x80x80xf32, #tpu.memory_space<vmem>> -> memref<1x80x80xf32, #tpu.memory_space<vmem>>
        %dma_wait3A_172 = tpu.memref_squeeze %dma_wait3A_171 : memref<1x80x80xf32, #tpu.memory_space<vmem>> -> memref<80x80xf32, #tpu.memory_space<vmem>>
        %dma_wait3A_173 = arith.constant 0 : i32
        %dma_wait3A_174 = tpu.memref_slice %arg8[%dma_wait3A_168, %dma_wait3A_173] : memref<266x80xi32, #tpu.memory_space<vmem>> -> memref<1x80xi32, #tpu.memory_space<vmem>>
        %dma_wait3A_175 = tpu.memref_squeeze %dma_wait3A_174 : memref<1x80xi32, #tpu.memory_space<vmem>> -> memref<80xi32, #tpu.memory_space<vmem>>
        %dma_wait3A_176 = arith.constant 0 : i32
        %dma_wait3A_177 = arith.constant 0 : i32
        %dma_wait3A_178 = tpu.memref_slice %arg15[%dma_wait3A_176, %dma_wait3A_177] : memref<12288x80xf32, #tpu.memory_space<vmem_shared>> -> memref<12288x80xf32, #tpu.memory_space<vmem_shared>>
        tpu.wait_indirect_dma semaphore(%arg13 : memref<!tpu.dma_semaphore, #tpu.memory_space<semaphore_mem>>) src(%dma_wait3A_172 : memref<80x80xf32, #tpu.memory_space<vmem>>) dst(%dma_wait3A_178 : memref<12288x80xf32, #tpu.memory_space<vmem_shared>>)
        %add3A_179 = arith.constant 2 : i32
        %add3A_180 = arith.addi %add3A_99, %add3A_179 : i32
        %dma_start3A_181 = arith.constant 0 : i32
        %dma_start3A_182 = arith.constant 0 : i32
        %dma_start3A_183 = arith.constant 0 : i32
        %dma_start3A_184 = tpu.memref_slice %arg9[%dma_start3A_181, %dma_start3A_182, %dma_start3A_183] : memref<2x80x80xf32, #tpu.memory_space<vmem>> -> memref<1x80x80xf32, #tpu.memory_space<vmem>>
        %dma_start3A_185 = tpu.memref_squeeze %dma_start3A_184 : memref<1x80x80xf32, #tpu.memory_space<vmem>> -> memref<80x80xf32, #tpu.memory_space<vmem>>
        %dma_start3A_186 = arith.constant 0 : i32
        %dma_start3A_187 = tpu.memref_slice %arg7[%add3A_180, %dma_start3A_186] : memref<266x80xi32, #tpu.memory_space<vmem>> -> memref<1x80xi32, #tpu.memory_space<vmem>>
        %dma_start3A_188 = tpu.memref_squeeze %dma_start3A_187 : memref<1x80xi32, #tpu.memory_space<vmem>> -> memref<80xi32, #tpu.memory_space<vmem>>
        %dma_start3A_189 = arith.constant 0 : i32
        %dma_start3A_190 = arith.constant 0 : i32
        %dma_start3A_191 = tpu.memref_slice %arg2[%arg0, %dma_start3A_189, %dma_start3A_190] : memref<2x12288x80xf32, #tpu.memory_space<hbm>> -> memref<1x12288x80xf32, #tpu.memory_space<hbm>>
        %dma_start3A_192 = tpu.memref_squeeze %dma_start3A_191 : memref<1x12288x80xf32, #tpu.memory_space<hbm>> -> memref<12288x80xf32, #tpu.memory_space<hbm>>
        %dma_start3A_193 = arith.constant 0 : i32
        %dma_start3A_194 = arith.constant 0 : i32
        %dma_start3A_195 = tpu.memref_slice %dma_start3A_192[%dma_start3A_193, %dma_start3A_194] : memref<12288x80xf32, #tpu.memory_space<hbm>> -> memref<12288x80xf32, #tpu.memory_space<hbm>>
        tpu.enqueue_indirect_dma source(%dma_start3A_195 : memref<12288x80xf32, #tpu.memory_space<hbm>>) target(%dma_start3A_185 : memref<80x80xf32, #tpu.memory_space<vmem>>) offsets(%dma_start3A_188 : memref<80xi32, #tpu.memory_space<vmem>>) semaphore(%arg11 : memref<!tpu.dma_semaphore, #tpu.memory_space<semaphore_mem>>)
      } else {
      }
      %add3A_131 = arith.constant 1 : i32
      %add3A_132 = arith.addi %add3A_97, %add3A_131 : i32
      %dma_wait3A_133 = arith.constant 0 : i32
      %dma_wait3A_134 = arith.constant 1 : i32
      %dma_wait3A_135 = arith.constant 0 : i32
      %dma_wait3A_136 = arith.constant 0 : i32
      %dma_wait3A_137 = tpu.memref_slice %arg9[%dma_wait3A_134, %dma_wait3A_135, %dma_wait3A_136] : memref<2x80x80xf32, #tpu.memory_space<vmem>> -> memref<1x80x80xf32, #tpu.memory_space<vmem>>
      %dma_wait3A_138 = tpu.memref_squeeze %dma_wait3A_137 : memref<1x80x80xf32, #tpu.memory_space<vmem>> -> memref<80x80xf32, #tpu.memory_space<vmem>>
      %dma_wait3A_139 = arith.constant 0 : i32
      %dma_wait3A_140 = tpu.memref_slice %arg7[%dma_wait3A_133, %dma_wait3A_139] : memref<266x80xi32, #tpu.memory_space<vmem>> -> memref<1x80xi32, #tpu.memory_space<vmem>>
      %dma_wait3A_141 = tpu.memref_squeeze %dma_wait3A_140 : memref<1x80xi32, #tpu.memory_space<vmem>> -> memref<80xi32, #tpu.memory_space<vmem>>
      %dma_wait3A_142 = arith.constant 0 : i32
      %dma_wait3A_143 = arith.constant 0 : i32
      %dma_wait3A_144 = tpu.memref_slice %arg2[%arg0, %dma_wait3A_142, %dma_wait3A_143] : memref<2x12288x80xf32, #tpu.memory_space<hbm>> -> memref<1x12288x80xf32, #tpu.memory_space<hbm>>
      %dma_wait3A_145 = tpu.memref_squeeze %dma_wait3A_144 : memref<1x12288x80xf32, #tpu.memory_space<hbm>> -> memref<12288x80xf32, #tpu.memory_space<hbm>>
      %dma_wait3A_146 = arith.constant 0 : i32
      %dma_wait3A_147 = arith.constant 0 : i32
      %dma_wait3A_148 = tpu.memref_slice %dma_wait3A_145[%dma_wait3A_146, %dma_wait3A_147] : memref<12288x80xf32, #tpu.memory_space<hbm>> -> memref<12288x80xf32, #tpu.memory_space<hbm>>
      tpu.wait_indirect_dma semaphore(%arg12 : memref<!tpu.dma_semaphore, #tpu.memory_space<semaphore_mem>>) src(%dma_wait3A_148 : memref<12288x80xf32, #tpu.memory_space<hbm>>) dst(%dma_wait3A_138 : memref<80x80xf32, #tpu.memory_space<vmem>>)
      %dma_start3A_149 = arith.constant 1 : i32
      %dma_start3A_150 = arith.constant 0 : i32
      %dma_start3A_151 = arith.constant 0 : i32
      %dma_start3A_152 = tpu.memref_slice %arg9[%dma_start3A_149, %dma_start3A_150, %dma_start3A_151] : memref<2x80x80xf32, #tpu.memory_space<vmem>> -> memref<1x80x80xf32, #tpu.memory_space<vmem>>
      %dma_start3A_153 = tpu.memref_squeeze %dma_start3A_152 : memref<1x80x80xf32, #tpu.memory_space<vmem>> -> memref<80x80xf32, #tpu.memory_space<vmem>>
      %dma_start3A_154 = arith.constant 0 : i32
      %dma_start3A_155 = tpu.memref_slice %arg8[%add3A_132, %dma_start3A_154] : memref<266x80xi32, #tpu.memory_space<vmem>> -> memref<1x80xi32, #tpu.memory_space<vmem>>
      %dma_start3A_156 = tpu.memref_squeeze %dma_start3A_155 : memref<1x80xi32, #tpu.memory_space<vmem>> -> memref<80xi32, #tpu.memory_space<vmem>>
      %dma_start3A_157 = arith.constant 0 : i32
      %dma_start3A_158 = arith.constant 0 : i32
      %dma_start3A_159 = tpu.memref_slice %arg15[%dma_start3A_157, %dma_start3A_158] : memref<12288x80xf32, #tpu.memory_space<vmem_shared>> -> memref<12288x80xf32, #tpu.memory_space<vmem_shared>>
      tpu.enqueue_indirect_dma source(%dma_start3A_153 : memref<80x80xf32, #tpu.memory_space<vmem>>) target(%dma_start3A_159 : memref<12288x80xf32, #tpu.memory_space<vmem_shared>>) offsets(%dma_start3A_156 : memref<80xi32, #tpu.memory_space<vmem>>) semaphore(%arg14 : memref<!tpu.dma_semaphore, #tpu.memory_space<semaphore_mem>>) {add = true}
      %add3A_160 = arith.constant 2 : i32
      %add3A_161 = arith.addi %add3A_132, %add3A_160 : i32
      %lt3A_162 = arith.constant 266 : i32
      %lt3A_163 = arith.cmpi slt, %add3A_161, %lt3A_162 : i32
      %convert_element_type3A_164 = arith.extui %lt3A_163 : i1 to i32
      %cond3A_165 = arith.constant 0 : i32
      %cond3A_166 = arith.cmpi ne, %convert_element_type3A_164, %cond3A_165 : i32
      scf.if %cond3A_166 {
        %dma_wait3A_167 = arith.constant 1 : i32
        %dma_wait3A_168 = arith.constant 0 : i32
        %dma_wait3A_169 = arith.constant 0 : i32
        %dma_wait3A_170 = arith.constant 0 : i32
        %dma_wait3A_171 = tpu.memref_slice %arg9[%dma_wait3A_167, %dma_wait3A_169, %dma_wait3A_170] : memref<2x80x80xf32, #tpu.memory_space<vmem>> -> memref<1x80x80xf32, #tpu.memory_space<vmem>>
        %dma_wait3A_172 = tpu.memref_squeeze %dma_wait3A_171 : memref<1x80x80xf32, #tpu.memory_space<vmem>> -> memref<80x80xf32, #tpu.memory_space<vmem>>
        %dma_wait3A_173 = arith.constant 0 : i32
        %dma_wait3A_174 = tpu.memref_slice %arg8[%dma_wait3A_168, %dma_wait3A_173] : memref<266x80xi32, #tpu.memory_space<vmem>> -> memref<1x80xi32, #tpu.memory_space<vmem>>
        %dma_wait3A_175 = tpu.memref_squeeze %dma_wait3A_174 : memref<1x80xi32, #tpu.memory_space<vmem>> -> memref<80xi32, #tpu.memory_space<vmem>>
        %dma_wait3A_176 = arith.constant 0 : i32
        %dma_wait3A_177 = arith.constant 0 : i32
        %dma_wait3A_178 = tpu.memref_slice %arg15[%dma_wait3A_176, %dma_wait3A_177] : memref<12288x80xf32, #tpu.memory_space<vmem_shared>> -> memref<12288x80xf32, #tpu.memory_space<vmem_shared>>
        tpu.wait_indirect_dma semaphore(%arg14 : memref<!tpu.dma_semaphore, #tpu.memory_space<semaphore_mem>>) src(%dma_wait3A_172 : memref<80x80xf32, #tpu.memory_space<vmem>>) dst(%dma_wait3A_178 : memref<12288x80xf32, #tpu.memory_space<vmem_shared>>)
        %add3A_179 = arith.constant 2 : i32
        %add3A_180 = arith.addi %add3A_132, %add3A_179 : i32
        %dma_start3A_181 = arith.constant 1 : i32
        %dma_start3A_182 = arith.constant 0 : i32
        %dma_start3A_183 = arith.constant 0 : i32
        %dma_start3A_184 = tpu.memref_slice %arg9[%dma_start3A_181, %dma_start3A_182, %dma_start3A_183] : memref<2x80x80xf32, #tpu.memory_space<vmem>> -> memref<1x80x80xf32, #tpu.memory_space<vmem>>
        %dma_start3A_185 = tpu.memref_squeeze %dma_start3A_184 : memref<1x80x80xf32, #tpu.memory_space<vmem>> -> memref<80x80xf32, #tpu.memory_space<vmem>>
        %dma_start3A_186 = arith.constant 0 : i32
        %dma_start3A_187 = tpu.memref_slice %arg7[%add3A_180, %dma_start3A_186] : memref<266x80xi32, #tpu.memory_space<vmem>> -> memref<1x80xi32, #tpu.memory_space<vmem>>
        %dma_start3A_188 = tpu.memref_squeeze %dma_start3A_187 : memref<1x80xi32, #tpu.memory_space<vmem>> -> memref<80xi32, #tpu.memory_space<vmem>>
        %dma_start3A_189 = arith.constant 0 : i32
        %dma_start3A_190 = arith.constant 0 : i32
        %dma_start3A_191 = tpu.memref_slice %arg2[%arg0, %dma_start3A_189, %dma_start3A_190] : memref<2x12288x80xf32, #tpu.memory_space<hbm>> -> memref<1x12288x80xf32, #tpu.memory_space<hbm>>
        %dma_start3A_192 = tpu.memref_squeeze %dma_start3A_191 : memref<1x12288x80xf32, #tpu.memory_space<hbm>> -> memref<12288x80xf32, #tpu.memory_space<hbm>>
        %dma_start3A_193 = arith.constant 0 : i32
        %dma_start3A_194 = arith.constant 0 : i32
        %dma_start3A_195 = tpu.memref_slice %dma_start3A_192[%dma_start3A_193, %dma_start3A_194] : memref<12288x80xf32, #tpu.memory_space<hbm>> -> memref<12288x80xf32, #tpu.memory_space<hbm>>
        tpu.enqueue_indirect_dma source(%dma_start3A_195 : memref<12288x80xf32, #tpu.memory_space<hbm>>) target(%dma_start3A_185 : memref<80x80xf32, #tpu.memory_space<vmem>>) offsets(%dma_start3A_188 : memref<80xi32, #tpu.memory_space<vmem>>) semaphore(%arg12 : memref<!tpu.dma_semaphore, #tpu.memory_space<semaphore_mem>>)
      } else {
      }
    }
    %scan3A_64 = arith.constant 133 : i32
    %dma_wait3A = arith.constant 0 : i32
    %dma_wait3A_65 = arith.constant 0 : i32
    %dma_wait3A_66 = arith.constant 0 : i32
    %dma_wait3A_67 = arith.constant 0 : i32
    %dma_wait3A_68 = tpu.memref_slice %arg9[%dma_wait3A, %dma_wait3A_66, %dma_wait3A_67] : memref<2x80x80xf32, #tpu.memory_space<vmem>> -> memref<1x80x80xf32, #tpu.memory_space<vmem>>
    %dma_wait3A_69 = tpu.memref_squeeze %dma_wait3A_68 : memref<1x80x80xf32, #tpu.memory_space<vmem>> -> memref<80x80xf32, #tpu.memory_space<vmem>>
    %dma_wait3A_70 = arith.constant 0 : i32
    %dma_wait3A_71 = tpu.memref_slice %arg8[%dma_wait3A_65, %dma_wait3A_70] : memref<266x80xi32, #tpu.memory_space<vmem>> -> memref<1x80xi32, #tpu.memory_space<vmem>>
    %dma_wait3A_72 = tpu.memref_squeeze %dma_wait3A_71 : memref<1x80xi32, #tpu.memory_space<vmem>> -> memref<80xi32, #tpu.memory_space<vmem>>
    %dma_wait3A_73 = arith.constant 0 : i32
    %dma_wait3A_74 = arith.constant 0 : i32
    %dma_wait3A_75 = tpu.memref_slice %arg15[%dma_wait3A_73, %dma_wait3A_74] : memref<12288x80xf32, #tpu.memory_space<vmem_shared>> -> memref<12288x80xf32, #tpu.memory_space<vmem_shared>>
    tpu.wait_indirect_dma semaphore(%arg13 : memref<!tpu.dma_semaphore, #tpu.memory_space<semaphore_mem>>) src(%dma_wait3A_69 : memref<80x80xf32, #tpu.memory_space<vmem>>) dst(%dma_wait3A_75 : memref<12288x80xf32, #tpu.memory_space<vmem_shared>>)
    %dma_wait3A_76 = arith.constant 1 : i32
    %dma_wait3A_77 = arith.constant 0 : i32
    %dma_wait3A_78 = arith.constant 0 : i32
    %dma_wait3A_79 = arith.constant 0 : i32
    %dma_wait3A_80 = tpu.memref_slice %arg9[%dma_wait3A_76, %dma_wait3A_78, %dma_wait3A_79] : memref<2x80x80xf32, #tpu.memory_space<vmem>> -> memref<1x80x80xf32, #tpu.memory_space<vmem>>
    %dma_wait3A_81 = tpu.memref_squeeze %dma_wait3A_80 : memref<1x80x80xf32, #tpu.memory_space<vmem>> -> memref<80x80xf32, #tpu.memory_space<vmem>>
    %dma_wait3A_82 = arith.constant 0 : i32
    %dma_wait3A_83 = tpu.memref_slice %arg8[%dma_wait3A_77, %dma_wait3A_82] : memref<266x80xi32, #tpu.memory_space<vmem>> -> memref<1x80xi32, #tpu.memory_space<vmem>>
    %dma_wait3A_84 = tpu.memref_squeeze %dma_wait3A_83 : memref<1x80xi32, #tpu.memory_space<vmem>> -> memref<80xi32, #tpu.memory_space<vmem>>
    %dma_wait3A_85 = arith.constant 0 : i32
    %dma_wait3A_86 = arith.constant 0 : i32
    %dma_wait3A_87 = tpu.memref_slice %arg15[%dma_wait3A_85, %dma_wait3A_86] : memref<12288x80xf32, #tpu.memory_space<vmem_shared>> -> memref<12288x80xf32, #tpu.memory_space<vmem_shared>>
    tpu.wait_indirect_dma semaphore(%arg14 : memref<!tpu.dma_semaphore, #tpu.memory_space<semaphore_mem>>) src(%dma_wait3A_81 : memref<80x80xf32, #tpu.memory_space<vmem>>) dst(%dma_wait3A_87 : memref<12288x80xf32, #tpu.memory_space<vmem_shared>>)
    %barrier3A_88 = arith.constant 0 : index
    tpu.barrier barrier_id(%barrier3A_88)
    %mul3A_89 = arith.constant 768 : i32
    %mul3A_90 = arith.muli %arg1, %mul3A_89 : i32
    %mul3A_91 = arith.constant 768 : i32
    %mul3A_92 = arith.muli %arg1, %mul3A_91 : i32
    "tpu.region"() ({
      %run_scoped3A = tpu.sem_alloc : memref<!tpu.dma_semaphore, #tpu.memory_space<semaphore_mem>>
      %dma_start3A_93 = arith.constant 0 : i32
      %dma_start3A_94 = tpu.memref_slice %arg6[%arg0, %mul3A_92, %dma_start3A_93] : memref<2x12288x80xf32, #tpu.memory_space<hbm>> -> memref<1x768x80xf32, #tpu.memory_space<hbm>>
      %dma_start3A_95 = tpu.memref_squeeze %dma_start3A_94 : memref<1x768x80xf32, #tpu.memory_space<hbm>> -> memref<768x80xf32, #tpu.memory_space<hbm>>
      %dma_start3A_96 = arith.constant 0 : i32
      %dma_start3A_97 = tpu.memref_slice %arg15[%mul3A_90, %dma_start3A_96] : memref<12288x80xf32, #tpu.memory_space<vmem_shared>> -> memref<768x80xf32, #tpu.memory_space<vmem_shared>>
      tpu.enqueue_dma source(%dma_start3A_97 : memref<768x80xf32, #tpu.memory_space<vmem_shared>>) target(%dma_start3A_95 : memref<768x80xf32, #tpu.memory_space<hbm>>) target_semaphore(%run_scoped3A : memref<!tpu.dma_semaphore, #tpu.memory_space<semaphore_mem>>)
      %dma_wait3A_98 = arith.constant 0 : i32
      %dma_wait3A_99 = tpu.memref_slice %arg6[%arg0, %mul3A_92, %dma_wait3A_98] : memref<2x12288x80xf32, #tpu.memory_space<hbm>> -> memref<1x768x80xf32, #tpu.memory_space<hbm>>
      %dma_wait3A_100 = tpu.memref_squeeze %dma_wait3A_99 : memref<1x768x80xf32, #tpu.memory_space<hbm>> -> memref<768x80xf32, #tpu.memory_space<hbm>>
      %dma_wait3A_101 = arith.constant 0 : i32
      %dma_wait3A_102 = tpu.memref_slice %arg15[%mul3A_90, %dma_wait3A_101] : memref<12288x80xf32, #tpu.memory_space<vmem_shared>> -> memref<768x80xf32, #tpu.memory_space<vmem_shared>>
      tpu.wait_dma2 semaphore(%run_scoped3A : memref<!tpu.dma_semaphore, #tpu.memory_space<semaphore_mem>>) src(%dma_wait3A_102 : memref<768x80xf32, #tpu.memory_space<vmem_shared>>) dst(%dma_wait3A_100 : memref<768x80xf32, #tpu.memory_space<hbm>>)
      tpu.yield
    }) : () -> ()
    return
  }
}

module attributes {stable_mosaic.version = 14 : i64} {
  func.func @body(%arg0: i32, %arg1: memref<2x1024x80xf32, #tpu.memory_space<vmem>>, %arg2: memref<1024x128xf32, #tpu.memory_space<vmem>>, %arg3: memref<1x128x128xf32, #tpu.memory_space<vmem>>, %arg4: memref<1x128x128xf32, #tpu.memory_space<vmem>>, %arg5: memref<1x1x128xf32, #tpu.memory_space<vmem>>, %arg6: memref<1024x128xf32, #tpu.memory_space<vmem>>) attributes {dimension_semantics = [#tpu.dimension_semantics<arbitrary>], iteration_bounds = array<i64: 12>, scalar_prefetch = 0 : i64, scratch_operands = 0 : i64, tpu.core_type = #tpu.core_type<tc>, window_params = [{transform_indices = @transform_0, window_bounds = array<i64: 2, 1024, 80>}, {transform_indices = @transform_1, window_bounds = array<i64: 1024, 128>}, {transform_indices = @transform_2, window_bounds = array<i64: 1, 128, 128>}, {transform_indices = @transform_3, window_bounds = array<i64: 1, 128, 128>}, {transform_indices = @transform_4, window_bounds = array<i64: 1, 1, 128>}, {transform_indices = @transform_5, window_bounds = array<i64: 1024, 128>}]} {
    %get3A = arith.constant 0 : index
    %get3A_0 = arith.constant 0 : index
    %get3A_1 = arith.constant 0 : index
    %get3A_2 = vector.load %arg1[%get3A, %get3A_0, %get3A_1] : memref<2x1024x80xf32, #tpu.memory_space<vmem>>, vector<1x1024x80xf32>
    %get3A_3 = vector.shape_cast %get3A_2 : vector<1x1024x80xf32> to vector<1024x80xf32>
    %get3A_4 = arith.constant 1 : index
    %get3A_5 = arith.constant 0 : index
    %get3A_6 = arith.constant 0 : index
    %get3A_7 = vector.load %arg1[%get3A_4, %get3A_5, %get3A_6] : memref<2x1024x80xf32, #tpu.memory_space<vmem>>, vector<1x1024x80xf32>
    %get3A_8 = vector.shape_cast %get3A_7 : vector<1x1024x80xf32> to vector<1024x80xf32>
    %slice3A = vector.extract_strided_slice %get3A_3 {offsets = [0, 64], sizes = [1024, 1], strides = [1, 1]} : vector<1024x80xf32> to vector<1024x1xf32>
    %max3A = arith.constant 1.000000e+00 : f32
    %max3A_9 = vector.broadcast %max3A : f32 to vector<1024x1xf32>
    %max3A_10 = arith.maximumf %slice3A, %max3A_9 : vector<1024x1xf32>
    %div3A = arith.constant 1.000000e+00 : f32
    %div3A_11 = vector.broadcast %div3A : f32 to vector<1024x1xf32>
    %div3A_12 = arith.divf %div3A_11, %max3A_10 : vector<1024x1xf32>
    %get3A_13 = arith.constant 0 : index
    %get3A_14 = arith.constant 0 : index
    %get3A_15 = arith.constant 0 : index
    %get3A_16 = vector.load %arg3[%get3A_13, %get3A_14, %get3A_15] : memref<1x128x128xf32, #tpu.memory_space<vmem>>, vector<1x128x128xf32>
    %get3A_17 = vector.shape_cast %get3A_16 : vector<1x128x128xf32> to vector<128x128xf32>
    %slice3A_18 = vector.extract_strided_slice %get3A_3 {offsets = [0, 0], sizes = [1024, 64], strides = [1, 1]} : vector<1024x80xf32> to vector<1024x64xf32>
    %mul3A = vector.broadcast %div3A_12 : vector<1024x1xf32> to vector<1024x64xf32>
    %mul3A_19 = arith.mulf %slice3A_18, %mul3A : vector<1024x64xf32>
    %slice3A_20 = vector.extract_strided_slice %get3A_17 {offsets = [0, 0], sizes = [64, 128], strides = [1, 1]} : vector<128x128xf32> to vector<64x128xf32>
    %dot_general3A = arith.constant dense<0.000000e+00> : vector<1024x128xf32>
    %dot_general3A_21 = tpu.matmul %mul3A_19, %slice3A_20, %dot_general3A {dimension_numbers = #tpu.dot_dimension_numbers<[1], [0], [0], [1], [0, 0, 1, 1], [], []>, transpose_lhs_hint = false} : vector<1024x64xf32>, vector<64x128xf32>, vector<1024x128xf32> -> vector<1024x128xf32>
    %slice3A_22 = vector.extract_strided_slice %get3A_8 {offsets = [0, 0], sizes = [1024, 64], strides = [1, 1]} : vector<1024x80xf32> to vector<1024x64xf32>
    %mul3A_23 = vector.broadcast %div3A_12 : vector<1024x1xf32> to vector<1024x64xf32>
    %mul3A_24 = arith.mulf %slice3A_22, %mul3A_23 : vector<1024x64xf32>
    %slice3A_25 = vector.extract_strided_slice %get3A_17 {offsets = [64, 0], sizes = [64, 128], strides = [1, 1]} : vector<128x128xf32> to vector<64x128xf32>
    %dot_general3A_26 = arith.constant dense<0.000000e+00> : vector<1024x128xf32>
    %dot_general3A_27 = tpu.matmul %mul3A_24, %slice3A_25, %dot_general3A_26 {dimension_numbers = #tpu.dot_dimension_numbers<[1], [0], [0], [1], [0, 0, 1, 1], [], []>, transpose_lhs_hint = false} : vector<1024x64xf32>, vector<64x128xf32>, vector<1024x128xf32> -> vector<1024x128xf32>
    %add3A = arith.addf %dot_general3A_21, %dot_general3A_27 : vector<1024x128xf32>
    %get3A_28 = arith.constant 0 : index
    %get3A_29 = arith.constant 0 : index
    %get3A_30 = arith.constant 0 : index
    %get3A_31 = vector.load %arg5[%get3A_28, %get3A_29, %get3A_30] : memref<1x1x128xf32, #tpu.memory_space<vmem>>, vector<1x1x128xf32>
    %get3A_32 = vector.shape_cast %get3A_31 : vector<1x1x128xf32> to vector<1x128xf32>
    %add3A_33 = vector.broadcast %get3A_32 : vector<1x128xf32> to vector<1024x128xf32>
    %add3A_34 = arith.addf %add3A, %add3A_33 : vector<1024x128xf32>
    %get3A_35 = arith.constant 0 : index
    %get3A_36 = arith.constant 0 : index
    %get3A_37 = vector.load %arg2[%get3A_35, %get3A_36] : memref<1024x128xf32, #tpu.memory_space<vmem>>, vector<1024x128xf32>
    %get3A_38 = arith.constant 0 : index
    %get3A_39 = arith.constant 0 : index
    %get3A_40 = arith.constant 0 : index
    %get3A_41 = vector.load %arg4[%get3A_38, %get3A_39, %get3A_40] : memref<1x128x128xf32, #tpu.memory_space<vmem>>, vector<1x128x128xf32>
    %get3A_42 = vector.shape_cast %get3A_41 : vector<1x128x128xf32> to vector<128x128xf32>
    %dot_general3A_43 = arith.constant dense<0.000000e+00> : vector<1024x128xf32>
    %dot_general3A_44 = tpu.matmul %get3A_37, %get3A_42, %dot_general3A_43 {dimension_numbers = #tpu.dot_dimension_numbers<[1], [0], [0], [1], [0, 0, 1, 1], [], []>, transpose_lhs_hint = false} : vector<1024x128xf32>, vector<128x128xf32>, vector<1024x128xf32> -> vector<1024x128xf32>
    %add3A_45 = arith.addf %add3A_34, %dot_general3A_44 : vector<1024x128xf32>
    %max3A_46 = arith.constant 0.000000e+00 : f32
    %max3A_47 = vector.broadcast %max3A_46 : f32 to vector<1024x128xf32>
    %max3A_48 = arith.maximumf %add3A_45, %max3A_47 : vector<1024x128xf32>
    %swap3A = arith.constant 0 : index
    %swap3A_49 = arith.constant 0 : index
    %swap3A_50 = vector.load %arg6[%swap3A, %swap3A_49] : memref<1024x128xf32, #tpu.memory_space<vmem>>, vector<1024x128xf32>
    tpu.vector_store %arg6[%swap3A, %swap3A_49], %max3A_48 {strides = array<i32>} : memref<1024x128xf32, #tpu.memory_space<vmem>>, vector<1024x128xf32>,
    return
  }
  func.func @transform_0(%arg0: i32) -> (i32, i32, i32) {
    %c0_i32 = arith.constant 0 : i32
    %c0_i32_0 = arith.constant 0 : i32
    %c0_i32_1 = arith.constant 0 : i32
    return %c0_i32, %arg0, %c0_i32_0 : i32, i32, i32
  }
  func.func @transform_1(%arg0: i32) -> (i32, i32) {
    %c0_i32 = arith.constant 0 : i32
    %c0_i32_0 = arith.constant 0 : i32
    return %arg0, %c0_i32 : i32, i32
  }
  func.func @transform_2(%arg0: i32) -> (i32, i32, i32) {
    %sub3A = arith.constant 9 : i32
    %sub3A_0 = arith.subi %arg0, %sub3A : i32
    %max3A = arith.constant 0 : i32
    %max3A_1 = arith.maxsi %sub3A_0, %max3A : i32
    %c0_i32 = arith.constant 0 : i32
    %c0_i32_2 = arith.constant 0 : i32
    %c0_i32_3 = arith.constant 0 : i32
    return %max3A_1, %c0_i32, %c0_i32_2 : i32, i32, i32
  }
  func.func @transform_3(%arg0: i32) -> (i32, i32, i32) {
    %sub3A = arith.constant 9 : i32
    %sub3A_0 = arith.subi %arg0, %sub3A : i32
    %max3A = arith.constant 0 : i32
    %max3A_1 = arith.maxsi %sub3A_0, %max3A : i32
    %c0_i32 = arith.constant 0 : i32
    %c0_i32_2 = arith.constant 0 : i32
    %c0_i32_3 = arith.constant 0 : i32
    return %max3A_1, %c0_i32, %c0_i32_2 : i32, i32, i32
  }
  func.func @transform_4(%arg0: i32) -> (i32, i32, i32) {
    %sub3A = arith.constant 9 : i32
    %sub3A_0 = arith.subi %arg0, %sub3A : i32
    %max3A = arith.constant 0 : i32
    %max3A_1 = arith.maxsi %sub3A_0, %max3A : i32
    %c0_i32 = arith.constant 0 : i32
    %c0_i32_2 = arith.constant 0 : i32
    %c0_i32_3 = arith.constant 0 : i32
    return %max3A_1, %c0_i32, %c0_i32_2 : i32, i32, i32
  }
  func.func @transform_5(%arg0: i32) -> (i32, i32) {
    %c0_i32 = arith.constant 0 : i32
    %c0_i32_0 = arith.constant 0 : i32
    return %arg0, %c0_i32 : i32, i32
  }
}

module attributes {stable_mosaic.version = 14 : i64} {
  func.func @body(%arg0: i32, %arg1: memref<2x1024x80xf32, #tpu.memory_space<vmem>>, %arg2: memref<1024x128xf32, #tpu.memory_space<vmem>>, %arg3: memref<1x128x128xf32, #tpu.memory_space<vmem>>, %arg4: memref<1x128x128xf32, #tpu.memory_space<vmem>>, %arg5: memref<1x1x128xf32, #tpu.memory_space<vmem>>, %arg6: memref<1024x128xf32, #tpu.memory_space<vmem>>) attributes {dimension_semantics = [#tpu.dimension_semantics<arbitrary>], iteration_bounds = array<i64: 12>, scalar_prefetch = 0 : i64, scratch_operands = 0 : i64, tpu.core_type = #tpu.core_type<tc>, window_params = [{transform_indices = @transform_0, window_bounds = array<i64: 2, 1024, 80>}, {transform_indices = @transform_1, window_bounds = array<i64: 1024, 128>}, {transform_indices = @transform_2, window_bounds = array<i64: 1, 128, 128>}, {transform_indices = @transform_3, window_bounds = array<i64: 1, 128, 128>}, {transform_indices = @transform_4, window_bounds = array<i64: 1, 1, 128>}, {transform_indices = @transform_5, window_bounds = array<i64: 1024, 128>}]} {
    %get3A = arith.constant 0 : index
    %get3A_0 = arith.constant 0 : index
    %get3A_1 = arith.constant 0 : index
    %get3A_2 = vector.load %arg1[%get3A, %get3A_0, %get3A_1] : memref<2x1024x80xf32, #tpu.memory_space<vmem>>, vector<1x1024x80xf32>
    %get3A_3 = vector.shape_cast %get3A_2 : vector<1x1024x80xf32> to vector<1024x80xf32>
    %get3A_4 = arith.constant 1 : index
    %get3A_5 = arith.constant 0 : index
    %get3A_6 = arith.constant 0 : index
    %get3A_7 = vector.load %arg1[%get3A_4, %get3A_5, %get3A_6] : memref<2x1024x80xf32, #tpu.memory_space<vmem>>, vector<1x1024x80xf32>
    %get3A_8 = vector.shape_cast %get3A_7 : vector<1x1024x80xf32> to vector<1024x80xf32>
    %slice3A = vector.extract_strided_slice %get3A_3 {offsets = [0, 64], sizes = [1024, 1], strides = [1, 1]} : vector<1024x80xf32> to vector<1024x1xf32>
    %max3A = arith.constant 1.000000e+00 : f32
    %max3A_9 = vector.broadcast %max3A : f32 to vector<1024x1xf32>
    %max3A_10 = arith.maximumf %slice3A, %max3A_9 : vector<1024x1xf32>
    %div3A = arith.constant 1.000000e+00 : f32
    %div3A_11 = vector.broadcast %div3A : f32 to vector<1024x1xf32>
    %div3A_12 = arith.divf %div3A_11, %max3A_10 : vector<1024x1xf32>
    %get3A_13 = arith.constant 0 : index
    %get3A_14 = arith.constant 0 : index
    %get3A_15 = arith.constant 0 : index
    %get3A_16 = vector.load %arg3[%get3A_13, %get3A_14, %get3A_15] : memref<1x128x128xf32, #tpu.memory_space<vmem>>, vector<1x128x128xf32>
    %get3A_17 = vector.shape_cast %get3A_16 : vector<1x128x128xf32> to vector<128x128xf32>
    %slice3A_18 = vector.extract_strided_slice %get3A_3 {offsets = [0, 0], sizes = [1024, 64], strides = [1, 1]} : vector<1024x80xf32> to vector<1024x64xf32>
    %mul3A = vector.broadcast %div3A_12 : vector<1024x1xf32> to vector<1024x64xf32>
    %mul3A_19 = arith.mulf %slice3A_18, %mul3A : vector<1024x64xf32>
    %slice3A_20 = vector.extract_strided_slice %get3A_17 {offsets = [0, 0], sizes = [64, 128], strides = [1, 1]} : vector<128x128xf32> to vector<64x128xf32>
    %dot_general3A = arith.constant dense<0.000000e+00> : vector<1024x128xf32>
    %dot_general3A_21 = tpu.matmul %mul3A_19, %slice3A_20, %dot_general3A {dimension_numbers = #tpu.dot_dimension_numbers<[1], [0], [0], [1], [0, 0, 1, 1], [], []>, transpose_lhs_hint = false} : vector<1024x64xf32>, vector<64x128xf32>, vector<1024x128xf32> -> vector<1024x128xf32>
    %slice3A_22 = vector.extract_strided_slice %get3A_8 {offsets = [0, 0], sizes = [1024, 64], strides = [1, 1]} : vector<1024x80xf32> to vector<1024x64xf32>
    %mul3A_23 = vector.broadcast %div3A_12 : vector<1024x1xf32> to vector<1024x64xf32>
    %mul3A_24 = arith.mulf %slice3A_22, %mul3A_23 : vector<1024x64xf32>
    %slice3A_25 = vector.extract_strided_slice %get3A_17 {offsets = [64, 0], sizes = [64, 128], strides = [1, 1]} : vector<128x128xf32> to vector<64x128xf32>
    %dot_general3A_26 = arith.constant dense<0.000000e+00> : vector<1024x128xf32>
    %dot_general3A_27 = tpu.matmul %mul3A_24, %slice3A_25, %dot_general3A_26 {dimension_numbers = #tpu.dot_dimension_numbers<[1], [0], [0], [1], [0, 0, 1, 1], [], []>, transpose_lhs_hint = false} : vector<1024x64xf32>, vector<64x128xf32>, vector<1024x128xf32> -> vector<1024x128xf32>
    %add3A = arith.addf %dot_general3A_21, %dot_general3A_27 : vector<1024x128xf32>
    %get3A_28 = arith.constant 0 : index
    %get3A_29 = arith.constant 0 : index
    %get3A_30 = arith.constant 0 : index
    %get3A_31 = vector.load %arg5[%get3A_28, %get3A_29, %get3A_30] : memref<1x1x128xf32, #tpu.memory_space<vmem>>, vector<1x1x128xf32>
    %get3A_32 = vector.shape_cast %get3A_31 : vector<1x1x128xf32> to vector<1x128xf32>
    %add3A_33 = vector.broadcast %get3A_32 : vector<1x128xf32> to vector<1024x128xf32>
    %add3A_34 = arith.addf %add3A, %add3A_33 : vector<1024x128xf32>
    %get3A_35 = arith.constant 0 : index
    %get3A_36 = arith.constant 0 : index
    %get3A_37 = vector.load %arg2[%get3A_35, %get3A_36] : memref<1024x128xf32, #tpu.memory_space<vmem>>, vector<1024x128xf32>
    %get3A_38 = arith.constant 0 : index
    %get3A_39 = arith.constant 0 : index
    %get3A_40 = arith.constant 0 : index
    %get3A_41 = vector.load %arg4[%get3A_38, %get3A_39, %get3A_40] : memref<1x128x128xf32, #tpu.memory_space<vmem>>, vector<1x128x128xf32>
    %get3A_42 = vector.shape_cast %get3A_41 : vector<1x128x128xf32> to vector<128x128xf32>
    %dot_general3A_43 = arith.constant dense<0.000000e+00> : vector<1024x128xf32>
    %dot_general3A_44 = tpu.matmul %get3A_37, %get3A_42, %dot_general3A_43 {dimension_numbers = #tpu.dot_dimension_numbers<[1], [0], [0], [1], [0, 0, 1, 1], [], []>, transpose_lhs_hint = false} : vector<1024x128xf32>, vector<128x128xf32>, vector<1024x128xf32> -> vector<1024x128xf32>
    %add3A_45 = arith.addf %add3A_34, %dot_general3A_44 : vector<1024x128xf32>
    %swap3A = arith.constant 0 : index
    %swap3A_46 = arith.constant 0 : index
    %swap3A_47 = vector.load %arg6[%swap3A, %swap3A_46] : memref<1024x128xf32, #tpu.memory_space<vmem>>, vector<1024x128xf32>
    tpu.vector_store %arg6[%swap3A, %swap3A_46], %add3A_45 {strides = array<i32>} : memref<1024x128xf32, #tpu.memory_space<vmem>>, vector<1024x128xf32>,
    return
  }
  func.func @transform_0(%arg0: i32) -> (i32, i32, i32) {
    %c0_i32 = arith.constant 0 : i32
    %c0_i32_0 = arith.constant 0 : i32
    %c0_i32_1 = arith.constant 0 : i32
    return %c0_i32, %arg0, %c0_i32_0 : i32, i32, i32
  }
  func.func @transform_1(%arg0: i32) -> (i32, i32) {
    %c0_i32 = arith.constant 0 : i32
    %c0_i32_0 = arith.constant 0 : i32
    return %arg0, %c0_i32 : i32, i32
  }
  func.func @transform_2(%arg0: i32) -> (i32, i32, i32) {
    %sub3A = arith.constant 9 : i32
    %sub3A_0 = arith.subi %arg0, %sub3A : i32
    %max3A = arith.constant 0 : i32
    %max3A_1 = arith.maxsi %sub3A_0, %max3A : i32
    %c0_i32 = arith.constant 0 : i32
    %c0_i32_2 = arith.constant 0 : i32
    %c0_i32_3 = arith.constant 0 : i32
    return %max3A_1, %c0_i32, %c0_i32_2 : i32, i32, i32
  }
  func.func @transform_3(%arg0: i32) -> (i32, i32, i32) {
    %sub3A = arith.constant 9 : i32
    %sub3A_0 = arith.subi %arg0, %sub3A : i32
    %max3A = arith.constant 0 : i32
    %max3A_1 = arith.maxsi %sub3A_0, %max3A : i32
    %c0_i32 = arith.constant 0 : i32
    %c0_i32_2 = arith.constant 0 : i32
    %c0_i32_3 = arith.constant 0 : i32
    return %max3A_1, %c0_i32, %c0_i32_2 : i32, i32, i32
  }
  func.func @transform_4(%arg0: i32) -> (i32, i32, i32) {
    %sub3A = arith.constant 9 : i32
    %sub3A_0 = arith.subi %arg0, %sub3A : i32
    %max3A = arith.constant 0 : i32
    %max3A_1 = arith.maxsi %sub3A_0, %max3A : i32
    %c0_i32 = arith.constant 0 : i32
    %c0_i32_2 = arith.constant 0 : i32
    %c0_i32_3 = arith.constant 0 : i32
    return %max3A_1, %c0_i32, %c0_i32_2 : i32, i32, i32
  }
  func.func @transform_5(%arg0: i32) -> (i32, i32) {
    %c0_i32 = arith.constant 0 : i32
    %c0_i32_0 = arith.constant 0 : i32
    return %arg0, %c0_i32 : i32, i32
  }
}

module attributes {stable_mosaic.version = 14 : i64} {
  func.func @body(%arg0: i32, %arg1: memref<1024x128xf32, #tpu.memory_space<vmem>>, %arg2: memref<1x512xi32, #tpu.memory_space<vmem>>, %arg3: memref<512x128xf32, #tpu.memory_space<vmem>>, %arg4: memref<128x128xf32, #tpu.memory_space<vmem>>, %arg5: memref<128x128xf32, #tpu.memory_space<vmem>>, %arg6: memref<128x128xf32, #tpu.memory_space<vmem>>, %arg7: memref<1x128xf32, #tpu.memory_space<vmem>>, %arg8: memref<1024x128xf32, #tpu.memory_space<vmem>>, %arg9: memref<1024x1xi32, #tpu.memory_space<vmem>>, %arg10: memref<1024x128xf32, #tpu.memory_space<vmem>>) attributes {dimension_semantics = [#tpu.dimension_semantics<arbitrary>], iteration_bounds = array<i64: 16>, scalar_prefetch = 0 : i64, scratch_operands = 2 : i64, tpu.core_type = #tpu.core_type<tc>, window_params = [{pipeline_mode = #tpu.pipeline_mode<synchronous>, transform_indices = @transform_0, window_bounds = array<i64: 1024, 128>}, {transform_indices = @transform_1, window_bounds = array<i64: 1, 512>}, {transform_indices = @transform_2, window_bounds = array<i64: 512, 128>}, {pipeline_mode = #tpu.pipeline_mode<synchronous>, transform_indices = @transform_3, window_bounds = array<i64: 128, 128>}, {pipeline_mode = #tpu.pipeline_mode<synchronous>, transform_indices = @transform_4, window_bounds = array<i64: 128, 128>}, {pipeline_mode = #tpu.pipeline_mode<synchronous>, transform_indices = @transform_5, window_bounds = array<i64: 128, 128>}, {pipeline_mode = #tpu.pipeline_mode<synchronous>, transform_indices = @transform_6, window_bounds = array<i64: 1, 128>}, {pipeline_mode = #tpu.pipeline_mode<synchronous>, transform_indices = @transform_7, window_bounds = array<i64: 1024, 128>}]} {
    %lt3A = arith.constant 8 : i32
    %lt3A_0 = arith.cmpi slt, %arg0, %lt3A : i32
    %convert_element_type3A = arith.extui %lt3A_0 : i1 to i32
    %cond3A = arith.constant 0 : i32
    %cond3A_1 = arith.cmpi ne, %convert_element_type3A, %cond3A : i32
    scf.if %cond3A_1 {
      %get3A = arith.constant 0 : index
      %get3A_6 = arith.constant 0 : index
      %get3A_7 = vector.load %arg2[%get3A, %get3A_6] : memref<1x512xi32, #tpu.memory_space<vmem>>, vector<1x512xi32>
      %iota3A = tpu.iota {dimensions = array<i32: 0>} : vector<1024x1xi32>
      %eq3A = vector.broadcast %get3A_7 : vector<1x512xi32> to vector<1024x512xi32>
      %eq3A_8 = vector.broadcast %iota3A : vector<1024x1xi32> to vector<1024x512xi32>
      %eq3A_9 = arith.cmpi eq, %eq3A, %eq3A_8 : vector<1024x512xi32>
      %iota3A_10 = tpu.iota {dimensions = array<i32: 1>} : vector<1024x512xi32>
      %mul3A = arith.constant 512 : i32
      %mul3A_11 = arith.muli %arg0, %mul3A : i32
      %add3A = vector.broadcast %mul3A_11 : i32 to vector<1024x512xi32>
      %add3A_12 = arith.addi %iota3A_10, %add3A : vector<1024x512xi32>
      %jit3A = arith.constant -1 : i32
      %broadcast_in_dim3A = vector.broadcast %jit3A : i32 to vector<1024x512xi32>
      %select_n3A = arith.select %eq3A_9, %add3A_12, %broadcast_in_dim3A : vector<1024x512xi1>, vector<1024x512xi32>
      %reduce_max3A = arith.constant dense<-2147483648> : vector<1024xi32>
      %reduce_max3A_13 = vector.multi_reduction <maxsi>, %select_n3A, %reduce_max3A [1] : vector<1024x512xi32> to vector<1024xi32>
      %broadcast_in_dim3A_14 = vector.shape_cast %reduce_max3A_13 : vector<1024xi32> to vector<1024x1xi32>
      %eq3A_15 = arith.constant 0 : i32
      %eq3A_16 = arith.cmpi eq, %arg0, %eq3A_15 : i32
      %broadcast_in_dim3A_17 = arith.constant -1 : i32
      %broadcast_in_dim3A_18 = vector.broadcast %broadcast_in_dim3A_17 : i32 to vector<1024x1xi32>
      %get3A_19 = arith.constant 0 : index
      %get3A_20 = arith.constant 0 : index
      %get3A_21 = vector.load %arg9[%get3A_19, %get3A_20] : memref<1024x1xi32, #tpu.memory_space<vmem>>, vector<1024x1xi32>
      %select_n3A_22 = arith.select %eq3A_16, %broadcast_in_dim3A_18, %get3A_21 : vector<1024x1xi32>
      %max3A = arith.maxsi %select_n3A_22, %broadcast_in_dim3A_14 : vector<1024x1xi32>
      %swap3A = arith.constant 0 : index
      %swap3A_23 = arith.constant 0 : index
      %swap3A_24 = vector.load %arg9[%swap3A, %swap3A_23] : memref<1024x1xi32, #tpu.memory_space<vmem>>, vector<1024x1xi32>
      tpu.vector_store %arg9[%swap3A, %swap3A_23], %max3A {strides = array<i32>} : memref<1024x1xi32, #tpu.memory_space<vmem>>, vector<1024x1xi32>,
    } else {
    }
    %ge3A = arith.constant 8 : i32
    %ge3A_2 = arith.cmpi sge, %arg0, %ge3A : i32
    %convert_element_type3A_3 = arith.extui %ge3A_2 : i1 to i32
    %cond3A_4 = arith.constant 0 : i32
    %cond3A_5 = arith.cmpi ne, %convert_element_type3A_3, %cond3A_4 : i32
    scf.if %cond3A_5 {
      %sub3A = arith.constant 8 : i32
      %sub3A_6 = arith.subi %arg0, %sub3A : i32
      %get3A = arith.constant 0 : index
      %get3A_7 = arith.constant 0 : index
      %get3A_8 = vector.load %arg4[%get3A, %get3A_7] : memref<128x128xf32, #tpu.memory_space<vmem>>, vector<128x128xf32>
      %get3A_9 = arith.constant 0 : index
      %get3A_10 = arith.constant 0 : index
      %get3A_11 = vector.load %arg6[%get3A_9, %get3A_10] : memref<128x128xf32, #tpu.memory_space<vmem>>, vector<128x128xf32>
      %dot_general3A = arith.constant dense<0.000000e+00> : vector<128x128xf32>
      %dot_general3A_12 = tpu.matmul %get3A_8, %get3A_11, %dot_general3A {dimension_numbers = #tpu.dot_dimension_numbers<[1], [0], [0], [1], [0, 0, 1, 1], [], []>, transpose_lhs_hint = false} : vector<128x128xf32>, vector<128x128xf32>, vector<128x128xf32> -> vector<128x128xf32>
      %get3A_13 = arith.constant 0 : index
      %get3A_14 = arith.constant 0 : index
      %get3A_15 = vector.load %arg3[%get3A_13, %get3A_14] : memref<512x128xf32, #tpu.memory_space<vmem>>, vector<512x128xf32>
      %dot_general3A_16 = arith.constant dense<0.000000e+00> : vector<512x128xf32>
      %dot_general3A_17 = tpu.matmul %get3A_15, %dot_general3A_12, %dot_general3A_16 {dimension_numbers = #tpu.dot_dimension_numbers<[1], [0], [0], [1], [0, 0, 1, 1], [], []>, transpose_lhs_hint = false} : vector<512x128xf32>, vector<128x128xf32>, vector<512x128xf32> -> vector<512x128xf32>
      %iota3A = tpu.iota {dimensions = array<i32: 1>} : vector<1024x512xi32>
      %mul3A = arith.constant 512 : i32
      %mul3A_18 = arith.muli %sub3A_6, %mul3A : i32
      %add3A = vector.broadcast %mul3A_18 : i32 to vector<1024x512xi32>
      %add3A_19 = arith.addi %iota3A, %add3A : vector<1024x512xi32>
      %get3A_20 = arith.constant 0 : index
      %get3A_21 = arith.constant 0 : index
      %get3A_22 = vector.load %arg9[%get3A_20, %get3A_21] : memref<1024x1xi32, #tpu.memory_space<vmem>>, vector<1024x1xi32>
      %eq3A = vector.broadcast %get3A_22 : vector<1024x1xi32> to vector<1024x512xi32>
      %eq3A_23 = arith.cmpi eq, %eq3A, %add3A_19 : vector<1024x512xi32>
      %convert_element_type3A_24 = arith.extui %eq3A_23 : vector<1024x512xi1> to vector<1024x512xi32>
      %convert_element_type3A_25 = arith.sitofp %convert_element_type3A_24 : vector<1024x512xi32> to vector<1024x512xf32>
      %dot_general3A_26 = arith.constant dense<0.000000e+00> : vector<1024x128xf32>
      %dot_general3A_27 = tpu.matmul %convert_element_type3A_25, %dot_general3A_17, %dot_general3A_26 {dimension_numbers = #tpu.dot_dimension_numbers<[1], [0], [0], [1], [0, 0, 1, 1], [], []>, transpose_lhs_hint = false} : vector<1024x512xf32>, vector<512x128xf32>, vector<1024x128xf32> -> vector<1024x128xf32>
      %eq3A_28 = arith.constant 0 : i32
      %eq3A_29 = arith.cmpi eq, %sub3A_6, %eq3A_28 : i32
      %broadcast_in_dim3A = arith.constant 0.000000e+00 : f32
      %broadcast_in_dim3A_30 = vector.broadcast %broadcast_in_dim3A : f32 to vector<1024x128xf32>
      %get3A_31 = arith.constant 0 : index
      %get3A_32 = arith.constant 0 : index
      %get3A_33 = vector.load %arg10[%get3A_31, %get3A_32] : memref<1024x128xf32, #tpu.memory_space<vmem>>, vector<1024x128xf32>
      %select_n3A = arith.select %eq3A_29, %broadcast_in_dim3A_30, %get3A_33 : vector<1024x128xf32>
      %add3A_34 = arith.addf %select_n3A, %dot_general3A_27 : vector<1024x128xf32>
      %swap3A = arith.constant 0 : index
      %swap3A_35 = arith.constant 0 : index
      %swap3A_36 = vector.load %arg10[%swap3A, %swap3A_35] : memref<1024x128xf32, #tpu.memory_space<vmem>>, vector<1024x128xf32>
      tpu.vector_store %arg10[%swap3A, %swap3A_35], %add3A_34 {strides = array<i32>} : memref<1024x128xf32, #tpu.memory_space<vmem>>, vector<1024x128xf32>,
      %eq3A_37 = arith.constant 15 : i32
      %eq3A_38 = arith.cmpi eq, %arg0, %eq3A_37 : i32
      %convert_element_type3A_39 = arith.extui %eq3A_38 : i1 to i32
      %cond3A_40 = arith.constant 0 : i32
      %cond3A_41 = arith.cmpi ne, %convert_element_type3A_39, %cond3A_40 : i32
      scf.if %cond3A_41 {
        %get3A_42 = arith.constant 0 : index
        %get3A_43 = arith.constant 0 : index
        %get3A_44 = vector.load %arg4[%get3A_42, %get3A_43] : memref<128x128xf32, #tpu.memory_space<vmem>>, vector<128x128xf32>
        %get3A_45 = arith.constant 0 : index
        %get3A_46 = arith.constant 0 : index
        %get3A_47 = vector.load %arg5[%get3A_45, %get3A_46] : memref<128x128xf32, #tpu.memory_space<vmem>>, vector<128x128xf32>
        %dot_general3A_48 = arith.constant dense<0.000000e+00> : vector<128x128xf32>
        %dot_general3A_49 = tpu.matmul %get3A_44, %get3A_47, %dot_general3A_48 {dimension_numbers = #tpu.dot_dimension_numbers<[1], [0], [0], [1], [0, 0, 1, 1], [], []>, transpose_lhs_hint = false} : vector<128x128xf32>, vector<128x128xf32>, vector<128x128xf32> -> vector<128x128xf32>
        %get3A_50 = arith.constant 0 : index
        %get3A_51 = arith.constant 0 : index
        %get3A_52 = vector.load %arg1[%get3A_50, %get3A_51] : memref<1024x128xf32, #tpu.memory_space<vmem>>, vector<1024x128xf32>
        %dot_general3A_53 = arith.constant dense<0.000000e+00> : vector<1024x128xf32>
        %dot_general3A_54 = tpu.matmul %get3A_52, %dot_general3A_49, %dot_general3A_53 {dimension_numbers = #tpu.dot_dimension_numbers<[1], [0], [0], [1], [0, 0, 1, 1], [], []>, transpose_lhs_hint = false} : vector<1024x128xf32>, vector<128x128xf32>, vector<1024x128xf32> -> vector<1024x128xf32>
        %add3A_55 = arith.addf %dot_general3A_54, %add3A_34 : vector<1024x128xf32>
        %get3A_56 = arith.constant 0 : index
        %get3A_57 = arith.constant 0 : index
        %get3A_58 = vector.load %arg7[%get3A_56, %get3A_57] : memref<1x128xf32, #tpu.memory_space<vmem>>, vector<1x128xf32>
        %get3A_59 = vector.shape_cast %get3A_58 : vector<1x128xf32> to vector<128xf32>
        %broadcast_in_dim3A_60 = vector.shape_cast %get3A_59 : vector<128xf32> to vector<1x128xf32>
        %add3A_61 = vector.broadcast %broadcast_in_dim3A_60 : vector<1x128xf32> to vector<1024x128xf32>
        %add3A_62 = arith.addf %add3A_55, %add3A_61 : vector<1024x128xf32>
        %get3A_63 = arith.constant 0 : index
        %get3A_64 = arith.constant 0 : index
        %get3A_65 = vector.load %arg9[%get3A_63, %get3A_64] : memref<1024x1xi32, #tpu.memory_space<vmem>>, vector<1024x1xi32>
        %ge3A_66 = arith.constant 0 : i32
        %ge3A_67 = vector.broadcast %ge3A_66 : i32 to vector<1024x1xi32>
        %ge3A_68 = arith.cmpi sge, %get3A_65, %ge3A_67 : vector<1024x1xi32>
        %broadcast_in_dim3A_69 = vector.shape_cast %ge3A_68 : vector<1024x1xi1> to vector<1024x1xi1>
        %broadcast_in_dim3A_70 = vector.broadcast %broadcast_in_dim3A_69 : vector<1024x1xi1> to vector<1024x128xi1>
        %select_n3A_71 = arith.select %broadcast_in_dim3A_70, %add3A_62, %get3A_52 : vector<1024x128xi1>, vector<1024x128xf32>
        %swap3A_72 = arith.constant 0 : index
        %swap3A_73 = arith.constant 0 : index
        %swap3A_74 = vector.load %arg8[%swap3A_72, %swap3A_73] : memref<1024x128xf32, #tpu.memory_space<vmem>>, vector<1024x128xf32>
        tpu.vector_store %arg8[%swap3A_72, %swap3A_73], %select_n3A_71 {strides = array<i32>} : memref<1024x128xf32, #tpu.memory_space<vmem>>, vector<1024x128xf32>,
      } else {
      }
    } else {
    }
    return
  }
  func.func @transform_0(%arg0: i32) -> (i32, i32) {
    %c0_i32 = arith.constant 0 : i32
    %c0_i32_0 = arith.constant 0 : i32
    %c0_i32_1 = arith.constant 0 : i32
    return %c0_i32, %c0_i32_0 : i32, i32
  }
  func.func @transform_1(%arg0: i32) -> (i32, i32) {
    %rem3A = arith.constant 8 : i32
    %rem3A_0 = arith.remsi %arg0, %rem3A : i32
    %c0_i32 = arith.constant 0 : i32
    %c0_i32_1 = arith.constant 0 : i32
    return %c0_i32, %rem3A_0 : i32, i32
  }
  func.func @transform_2(%arg0: i32) -> (i32, i32) {
    %sub3A = arith.constant 8 : i32
    %sub3A_0 = arith.subi %arg0, %sub3A : i32
    %max3A = arith.constant 0 : i32
    %max3A_1 = arith.maxsi %sub3A_0, %max3A : i32
    %c0_i32 = arith.constant 0 : i32
    %c0_i32_2 = arith.constant 0 : i32
    return %max3A_1, %c0_i32 : i32, i32
  }
  func.func @transform_3(%arg0: i32) -> (i32, i32) {
    %c0_i32 = arith.constant 0 : i32
    %c0_i32_0 = arith.constant 0 : i32
    %c0_i32_1 = arith.constant 0 : i32
    return %c0_i32, %c0_i32_0 : i32, i32
  }
  func.func @transform_4(%arg0: i32) -> (i32, i32) {
    %c0_i32 = arith.constant 0 : i32
    %c0_i32_0 = arith.constant 0 : i32
    %c0_i32_1 = arith.constant 0 : i32
    return %c0_i32, %c0_i32_0 : i32, i32
  }
  func.func @transform_5(%arg0: i32) -> (i32, i32) {
    %c0_i32 = arith.constant 0 : i32
    %c0_i32_0 = arith.constant 0 : i32
    %c0_i32_1 = arith.constant 0 : i32
    return %c0_i32, %c0_i32_0 : i32, i32
  }
  func.func @transform_6(%arg0: i32) -> (i32, i32) {
    %c0_i32 = arith.constant 0 : i32
    %c0_i32_0 = arith.constant 0 : i32
    %c0_i32_1 = arith.constant 0 : i32
    return %c0_i32, %c0_i32_0 : i32, i32
  }
  func.func @transform_7(%arg0: i32) -> (i32, i32) {
    %c0_i32 = arith.constant 0 : i32
    %c0_i32_0 = arith.constant 0 : i32
    %c0_i32_1 = arith.constant 0 : i32
    return %c0_i32, %c0_i32_0 : i32, i32
  }
}

</mosaic_0001>

<sc_bundles>
// kernel: kernel.11.cloned.1.call-start
scs
__scs_entry_jumppad:
0x0: {  	(pc) =	sbr.rel $0x88, $3  }
0x1: {  	(tag) =	ssettag $0x0;
	lr =	simm.s32 $0x1  }
0x2: {  	[smem:$0x3F83] =	sst lr;
	_ =	strace $0xD0000000  }
0x3: {  	_ = 	snop  }
0x4: {  	_ = 	snop  }
0x5: {  	_ = 	snop  }
0x6: {  	_ = 	snop  }
0x7: {  	_ = 	snop  }
__scs_overlays_trampoline_lowered:
0x8: {  	[smem:$0x3F92] =	sst s0  }
0x9: {  	[smem:$0x3F93] =	sst s1  }
0xa: {  	[smem:$0x3F94] =	sst s2  }
0xb: {  	[smem:$0x3F95] =	sst s3  }
0xc: {  	[smem:$0x3F96] =	sst s4  }
0xd: {  	[smem:$0x3F97] =	sst s5  }
0xe: {  	[smem:$0x3F98] =	sst s6  }
0xf: {  	[smem:$0x3F99] =	sst s7  }
0x10: {  	[smem:$0x3F9A] =	sst s8  }
0x11: {  	[smem:$0x3F9B] =	sst s9;
	s0 =	simm.s32 @!p0 $0x0  }
0x12: {  	s1 =	sld [smem:$0x3F81];
	s0 =	simm.s32 @p0 $0x1  }
0x13: {  	[smem:$0x3F9C] =	sst s0;
	s0 =	simm.s32 @!p1 $0x0  }
0x14: {  	s2 =	sld [smem:$0x3F80];
	s0 =	simm.s32 @p1 $0x1  }
0x15: {  	[smem:$0x3F9D] =	sst s0;
	s0 =	simm.s32 @!p2 $0x0  }
0x16: {  	s3 =	sld [smem:$0x3FDB];
	s0 =	simm.s32 @p2 $0x1  }
0x17: {  	s4 =	simm.s32 $0x1BF5;
	[smem:$0x3F9F] =	sst s0  }
0x18: {  	s0 =	sld [smem:$0x3F82];
	_ =	swait.ge [sflag:s4], $0x0  }
0x19: {  	s7 =	sld [smem:$0x3F83]  }
0x1a: {  	s8 =	sadd.s32 $0xFFFFE003, lr  }
0x1b: {  	s9 =	sadd.s32 $0xFFFFFEF7, lr;
	s5 =	simm.s32 $0xFFFFFFFF;
	p2 =	slt.u32 s8, $0xFFFFF086  }
0x1c: {  	p1 =	slt.u32 s9, $0xF7A;
	s5 =	simm.s32 @!p2 $0x0  }
0x1d: {  	s5 =	simm.s32 @p1 $0x1;
	p0 =	seq.s32 s7, s2  }
0x1e: {  	s7 =	smul.u32 @!p0 $0xF7A, s2;
	p2 =	seq.s32 @!p0 s5, $0x0  }
0x1f: {  	s9 =	smul.u32 $0xF7A, s1;
	s8 =	simm.s32 @!p0 $0x1BF5;
	p2 =	por !p2, p0  }
0x20: {  	[sflag:s8] =	ssyncset.s32 @!p0 $0xFFFFF086;
	s6 =	sadd.s32 @!p0 s3, s7;
	s7 =	simm.s32 @!p0 $0x108  }
0x21: {  	s3 =	sadd.s32 s3, s9;
	s6 =	sadd.s32 @!p0 $0x88, s6;
	s7 =	simm.s32 @p2 $0x1082  }
0x22: {  	[simem:s7], [sflag:s8] =	dma.local @!p0 [hbm:s6], $0xF7A  }
0x23: {  	s9 =	sor.u32 $0xD0000000, s2;
	s6 =	simm.s32 $0x108;
	_ =	swait.ge @!p0 [sflag:s8], $0x0  }
0x24: {  	s3 =	sadd.s32 $0x88, s3;
	s6 =	simm.s32 @!p1 $0x1082;
	[sflag:s4] =	ssyncset.s32 $0xFFFFF086  }
0x25: {  	[simem:s6], [sflag:s4] =	dma.local [hbm:s3], $0xF7A  }
0x26: {  	[smem:$0x3F83] =	sst s1;
	(tag) =	ssettag s2;
	_ =	strace s9  }
0x27: {  	s1 =	sld [smem:$0x3F93]  }
0x28: {  	s2 =	sld [smem:$0x3F94]  }
0x29: {  	s4 =	sld [smem:$0x3F96]  }
0x2a: {  	p0 =	seq.s32 s5, $0x0;
	s5 =	sld [smem:$0x3F97]  }
0x2b: {  	s6 =	sld [smem:$0x3F98]  }
0x2c: {  	s7 =	sld [smem:$0x3F99]  }
0x2d: {  	s3 =	simm.s32 $0x108;
	s8 =	sld [smem:$0x3F9A]  }
0x2e: {  	s3 =	simm.s32 @!p0 $0x1082;
	s9 =	sld [smem:$0x3F9B]  }
0x2f: {  	lr =	sadd.s32 s0, s3;
	s0 =	sld [smem:$0x3F92]  }
0x30: {  	s3 =	sld [smem:$0x3F95]  }
0x31: {  	[smem:$0x3F9E] =	sst s10  }
0x32: {  	s10 =	sld [smem:$0x3F9C];
	_ =	sdelay $0x3  }
0x33: {  	p0 =	seq.s32 s10, $0x1;
	s10 =	sld [smem:$0x3F9E];
	_ =	sdelay $0x3  }
0x34: {  	[smem:$0x3F9E] =	sst s10  }
0x35: {  	s10 =	sld [smem:$0x3F9D];
	_ =	sdelay $0x3  }
0x36: {  	p1 =	seq.s32 s10, $0x1;
	s10 =	sld [smem:$0x3F9E];
	_ =	sdelay $0x3  }
0x37: {  	[smem:$0x3F9E] =	sst s10  }
0x38: {  	s10 =	sld [smem:$0x3F9F]  }
0x39: {  	_ = 	snop;
	(pc) =	sbr.ind lr, $3  }
0x3a: {  	_ = 	snop  }
0x3b: {  	_ = 	snop  }
0x3c: {  	p2 =	seq.s32 s10, $0x1;
	s10 =	sld [smem:$0x3F9E]  }
0x3d: {  	_ =	shalt  }
0x3e: {  	_ =	shalt  }
0x3f: {  	_ =	shalt  }
0x40: {  	_ =	shalt  }
0x41: {  	_ =	shalt  }
0x42: {  	_ =	shalt  }
0x43: {  	_ =	shalt  }
0x44: {  	_ =	shalt  }
0x45: {  	_ =	shalt  }
0x46: {  	_ =	shalt  }
0x47: {  	_ =	shalt  }
0x48: {  	_ =	shalt  }
0x49: {  	_ =	shalt  }
0x4a: {  	_ =	shalt  }
0x4b: {  	_ =	shalt  }
0x4c: {  	_ =	shalt  }
0x4d: {  	_ =	shalt  }
0x4e: {  	_ =	shalt  }
0x4f: {  	_ =	shalt  }
0x50: {  	_ =	shalt  }
0x51: {  	_ =	shalt  }
0x52: {  	_ =	shalt  }
0x53: {  	_ =	shalt  }
0x54: {  	_ =	shalt  }
0x55: {  	_ =	shalt  }
0x56: {  	_ =	shalt  }
0x57: {  	_ =	shalt  }
0x58: {  	_ =	shalt  }
0x59: {  	_ =	shalt  }
0x5a: {  	_ =	shalt  }
0x5b: {  	_ =	shalt  }
0x5c: {  	_ =	shalt  }
0x5d: {  	_ =	shalt  }
0x5e: {  	_ =	shalt  }
0x5f: {  	_ =	shalt  }
0x60: {  	_ =	shalt  }
0x61: {  	_ =	shalt  }
0x62: {  	_ =	shalt  }
0x63: {  	_ =	shalt  }
0x64: {  	_ =	shalt  }
0x65: {  	_ =	shalt  }
0x66: {  	_ =	shalt  }
0x67: {  	_ =	shalt  }
0x68: {  	_ =	shalt  }
0x69: {  	_ =	shalt  }
0x6a: {  	_ =	shalt  }
0x6b: {  	_ =	shalt  }
0x6c: {  	_ =	shalt  }
0x6d: {  	_ =	shalt  }
0x6e: {  	_ =	shalt  }
0x6f: {  	_ =	shalt  }
0x70: {  	_ =	shalt  }
0x71: {  	_ =	shalt  }
0x72: {  	_ =	shalt  }
0x73: {  	_ =	shalt  }
0x74: {  	_ =	shalt  }
0x75: {  	_ =	shalt  }
0x76: {  	_ =	shalt  }
0x77: {  	_ =	shalt  }
0x78: {  	_ =	shalt  }
0x79: {  	_ =	shalt  }
0x7a: {  	_ =	shalt  }
0x7b: {  	_ =	shalt  }
0x7c: {  	_ =	shalt  }
0x7d: {  	_ =	shalt  }
0x7e: {  	_ =	shalt  }
0x7f: {  	_ =	shalt  }
0x80: {  	_ =	shalt  }
0x81: {  	_ =	shalt  }
0x82: {  	_ =	shalt  }
0x83: {  	_ =	shalt  }
0x84: {  	_ =	shalt  }
0x85: {  	_ =	shalt  }
0x86: {  	_ =	shalt  }
0x87: {  	_ =	shalt  }
.Lfunc_end0:
.L_simem_size_0:
called_computation.1_lowered:
.L_overlay_start_0:
0x88: {  	s2 =	sld [smem:$0x3FD9]  }
0x89: {  	s3 =	sld [smem:$0x3FFE];
	_ =	sdelay $0x1  }
0x8a: {  	s1 =	srdreg.scid  }
0x8b: {  	s0 =	sand.u32 $0x1, s1  }
0x8c: {  	s14 =	sshll.u32 s0, $0xA;
	s2 =	sadd.s32 s3, s2  }
0x8d: {  	s2 =	sadd.s32 s2, s14  }
0x8e: {  	[smem:$0x3FAA] =	sst s2  }
0x8f: {  	_ = 	snop  }
0x90: {  	s2 =	sld [smem:$0x3FD0];
	_ =	sdelay $0x2  }
0x91: {  	s15 =	simm.s32 $0xA;
	s4 =	simm.s32 $0x10  }
0x92: {  	[smem:s4], [sflag:s15] =	dma.local [hbm:s2], $0x1  }
0x93: {  	_ =	swait.eq [sflag:s15], $0x1  }
0x94: {  	[sflag:s15] =	ssyncset.done $0x0  }
0x95: {  	[sflag:s15] =	ssyncadd.s32 $0xFFFFFFFF  }
0x96: {  	s16 =	sld [smem:$0x12];
	(tm) =	ssettm $0x1  }
0x97: {  	s17 =	sld [smem:$0x3FFB];
	_ =	sdelay $0x3  }
0x98: {  	_ =	strace s17  }
0x99: {  	s3 =	sld [smem:$0x3FFC];
	_ =	sdelay $0x3  }
0x9a: {  	_ =	strace s3  }
0x9b: {  	s3 =	sld [smem:$0x3FFD];
	_ =	sdelay $0x3  }
0x9c: {  	_ =	strace s3  }
0x9d: {  	_ =	strace $0x8FFFFFFF  }
0x9e: {  	s18 =	sld [smem:$0x3FDB];
	_ =	sdelay $0x1  }
0x9f: {  	s19 =	simm.s32 $_scs_section_size  }
0xa0: {  	s5 =	simm.s32 $_size__tile_overlayer_lowered;
	s6 =	simm.s32 $_tile_overlayer_lowered  }
0xa1: {  	s22 =	simm.s32 $0x1BFF;
	s21 =	sshll.u32 s6, $0x1;
	s3 =	sadd.s32 s19, s18  }
0xa2: {  	s7 =	simm.s32 $0x0;
	s20 =	sshll.u32 s5, $0x1;
	s5 =	sadd.s32 s21, s3  }
0xa3: {  	[timem:s7], [sflag:s22] =	dma.local [hbm:s5], s20  }
0xa4: {  	_ =	swait.ge [sflag:s22], s20  }
0xa5: {  	s4 =	ssub.s32 $0x0, s20;
	[sflag:s22] =	ssyncset.done $0x0  }
0xa6: {  	[sflag:s22] =	ssyncadd.s32 s4;
	_ =	sdelay $0x1  }
0xa7: {  	s23 =	simm.s32 $0x1B8B  }
0xa8: {  	_ =	swait.ge [sflag:s23], $0x1  }
0xa9: {  	[sflag:s23] =	ssyncset.done $0x0  }
0xaa: {  	s25 =	simm.s32 $0x1B8E;
	s24 =	sld [smem:$0x3FFE];
	[sflag:s23] =	ssyncadd.s32 $0xFFFFFFFF  }
0xab: {  	s26 =	simm.s32 $execute0_lowered;
	[smem:$0x3FD2] =	sst s25  }
0xac: {  	s5 =	sshll.u32 s26, $0x1;
	_ =	strace $0x80000049;
	[dreg:$0x1] =	wrdreg $0xFFFFFFFF  }
0xad: {  	s28 =	simm.s32 $_size_execute0_lowered;
	s3 =	sadd.s32 s3, s5;
	[dreg:$0x0] =	wrdreg $0x0  }
0xae: {  	s5 =	sshll.u32 s28, $0x1;
	[dreg:$0x2] =	wrdreg s3  }
0xaf: {  	[dreg:$0x3] =	wrdreg s5  }
0xb0: {  	[dreg:$0x4] =	wrdreg $0xC0  }
0xb1: {  	_ =	task [dreg:s7], $0x5FFFF  }
0xb2: {  	[dreg:$0x1] =	wrdreg $0xFFFFFFFF  }
0xb3: {  	[dreg:$0x0] =	wrdreg $0x60  }
0xb4: {  	[dreg:$0x2] =	wrdreg s24  }
0xb5: {  	[dreg:$0x3] =	wrdreg s16  }
0xb6: {  	[dreg:$0x4] =	wrdreg $0xF6400  }
0xb7: {  	[dreg:$0x5] =	wrdreg $0x9  }
0xb8: {  	_ =	task.clear_ibuf [dreg:s7], $0x6FFFF;
	_ =	strace $0x90000049  }
0xb9: {  	s29 =	simm.s32 $0x9;
	_ =	strace $0x8000004B  }
0xba: {  	_ =	swait.ge [sflag:s29], $0x1  }
0xbb: {  	[sflag:s29] =	ssyncadd.s32 $0xFFFFFFFF  }
0xbc: {  	_ =	strace $0x9000004B  }
0xbd: {  	_ =	sfence  }
0xbe: {  	s30 =	sld [smem:$0x0];
	_ =	sdelay $0x2  }
0xbf: {  	s31 =	sshll.u32 s1, $0xD;
	s1 =	sshrl.u32 s1, $0x2  }
0xc0: {  	s3 =	sand.u32 $0x4000, s31;
	s1 =	sadd.s32 s1, s30  }
0xc1: {  	s0 =	sor.u32 s3, s0;
	s1 =	sshll.u32 s1, $0x11  }
0xc2: {  	s0 =	sor.u32 s1, s0  }
0xc3: {  	s0 =	sadd.s32 $0x8F2B, s0  }
0xc4: {  	[sflag:s0] =	ssyncadd.remote.s32 $0x1  }
0xc5: {  	_ =	sfence.sel $0xFFFF  }
0xc6: {  	[dreg:$0x0] =	wrdreg $0xFFFFFFFF;
	(pc) =	sbr.abs _section_cstart, $3  }
0xc7: {  	[dreg:$0x1] =	wrdreg $0xFFFFFFFF  }
0xc8: {  	_ =	task.clear_ibuf [dreg:s7], $0x2FFFF;
	_ =	strace $0x9FFFFFFF  }
0xc9: {  	(tm) =	ssettm $0x7FFFFFFF  }
tec
execute0_lowered:
.L_overlay_start_1:
0x0: {  	(tag) =	ssettag $0x1  }
0x1: {  	s0 =	rddreg [dreg:$0x0]  }
0x2: {  	s1 =	srdreg.scid;
	s3 =	rddreg [dreg:$0x2];
	s4 =	simm.s32 $0x0  }
0x3: {  	s2 =	stileid.u32;
	s18 =	simm.s32 $0xD840;
	s19 =	simm.s32 $0x5  }
0x4: {  	s20 =	simm.s32 $0x5320;
	s21 =	simm.s32 $0x50;
	s22 =	simm.s32 $0xA640  }
0x5: {  	s23 =	simm.s32 $0xBF40;
	s24 =	simm.s32 $0x1;
	s25 =	simm.s32 $0x3  }
0x6: {  	s28 =	simm.s32 $0x4;
	s29 =	simm.s32 $0xA5A0;
	s7 =	smul.u32 $0xF000, s2  }
0x7: {  	s30 =	simm.s32 $0xA5F0;
	s1 =	sand.u32 $0x1, s1;
	s8 =	smul.u32 $0x3C000, s2  }
0x8: {  	s31 =	simm.s32 $0x0;
	[smem:$0x7FF] =	sst s4;
	s5 =	smul.u32 $0xF0000, s1  }
0x9: {  	s26 =	smul.u32 $0xA64, s2;
	_ =	strace $0x8000004A;
	s1 =	ssub.s32 $0x2, s1  }
0xa: {  	s9 =	sshrl.u32 s1, $0x1;
	s8 =	sshrl.u32 s8, $0x2;
	s6 =	sshrl.u32 s5, $0x3  }
0xb: {  	s5 =	sadd.s32 s7, s5;
	s1 =	ssub.s32 s1, s9;
	s14 =	sadd.s32 s8, s3  }
0xc: {  	s7 =	sadd.s32 s7, s3;
	s15 =	sadd.s32 s6, s0;
	s6 =	sadd.s32 s26, s0  }
0xd: {  	s5 =	sshrl.u32 s5, $0x3;
	s8 =	sadd.s32 $0x1E00, s14;
	s9 =	sadd.s32 $0x3C00, s14  }
0xe: {  	s10 =	sadd.s32 $0x5A00, s14;
	s11 =	sadd.s32 $0x7800, s14;
	s12 =	sadd.s32 $0x9600, s14  }
0xf: {  	s13 =	sadd.s32 $0xB400, s14;
	s14 =	sadd.s32 $0xD200, s14;
	s17 =	smax.u32 s1, $0x1  }
0x10: {  	s26 =	simm.s32 $0x2;
	s0 =	sadd.s32 s5, s0;
	s5 =	sadd.s32 $0xFB000, s6  }
0x11: {  	s6 =	sadd.s32 $0xF0800, s6;
	s15 =	sadd.s32 $0x4200, s15;
	s16 =	sadd.s32 $0x40200, s0  }
.LBB2_1:
0x12: {  	s0 =	rddreg [dreg:$0x1]  }
0x13: {  	[tilespmem:s18], [sflag:$0x5] =	stream.linear.gather [hbm4b:s0+s4], $0x1E00, $0x38;
	[tilespmem:$0x1E640] =	vst v63  }
0x14: {  	_ =	swait.ge [sflag:s19], $0x1E00  }
0x15: {  	[sflag:s19] =	ssyncset.done $0x0  }
0x16: {  	[sflag:s19] =	ssyncadd.s32 $0xFFFFE200  }
0x17: {  	[tilespmem:s4], [sflag:$0x5] =	stream.linear.gather [hbm4b:s5+s4], $0x5320, $0x38;
	[tilespmem:$0x1E640] =	vst v63  }
0x18: {  	_ =	swait.ge [sflag:s19], $0x5320  }
0x19: {  	[sflag:s19] =	ssyncset.done $0x0  }
0x1a: {  	[sflag:s19] =	ssyncadd.s32 $0xFFFFACE0  }
0x1b: {  	[tilespmem:s20], [sflag:$0x5] =	stream.linear.gather [hbm4b:s6+s4], $0x5320, $0x38;
	[tilespmem:$0x1E640] =	vst v63  }
0x1c: {  	_ =	swait.ge [sflag:s19], $0x5320  }
0x1d: {  	[sflag:s19] =	ssyncset.done $0x0  }
0x1e: {  	[sflag:s19] =	ssyncadd.s32 $0xFFFFACE0  }
0x1f: {  	[spmem:s7] =	stream.linear.scatter [tilespmem:s18], [sflag:$0x5], $0x1E00, $0x38;
	[tilespmem:$0x1E640] =	vst v63  }
0x20: {  	_ =	swait.ge [sflag:s19], $0x1E00  }
0x21: {  	[sflag:s19] =	ssyncset.done $0x0  }
0x22: {  	[sflag:s19] =	ssyncadd.s32 $0xFFFFE200  }
0x23: {  	[spmem:s8] =	stream.linear.scatter [tilespmem:s18], [sflag:$0x5], $0x1E00, $0x38;
	[tilespmem:$0x1E640] =	vst v63  }
0x24: {  	_ =	swait.ge [sflag:s19], $0x1E00  }
0x25: {  	[sflag:s19] =	ssyncset.done $0x0  }
0x26: {  	[sflag:s19] =	ssyncadd.s32 $0xFFFFE200  }
0x27: {  	[spmem:s9] =	stream.linear.scatter [tilespmem:s18], [sflag:$0x5], $0x1E00, $0x38;
	[tilespmem:$0x1E640] =	vst v63  }
0x28: {  	_ =	swait.ge [sflag:s19], $0x1E00  }
0x29: {  	[sflag:s19] =	ssyncset.done $0x0  }
0x2a: {  	[sflag:s19] =	ssyncadd.s32 $0xFFFFE200  }
0x2b: {  	[spmem:s10] =	stream.linear.scatter [tilespmem:s18], [sflag:$0x5], $0x1E00, $0x38;
	[tilespmem:$0x1E640] =	vst v63  }
0x2c: {  	_ =	swait.ge [sflag:s19], $0x1E00  }
0x2d: {  	[sflag:s19] =	ssyncset.done $0x0  }
0x2e: {  	[sflag:s19] =	ssyncadd.s32 $0xFFFFE200  }
0x2f: {  	[spmem:s11] =	stream.linear.scatter [tilespmem:s18], [sflag:$0x5], $0x1E00, $0x38;
	[tilespmem:$0x1E640] =	vst v63  }
0x30: {  	_ =	swait.ge [sflag:s19], $0x1E00  }
0x31: {  	[sflag:s19] =	ssyncset.done $0x0  }
0x32: {  	[sflag:s19] =	ssyncadd.s32 $0xFFFFE200  }
0x33: {  	[spmem:s12] =	stream.linear.scatter [tilespmem:s18], [sflag:$0x5], $0x1E00, $0x38;
	[tilespmem:$0x1E640] =	vst v63  }
0x34: {  	_ =	swait.ge [sflag:s19], $0x1E00  }
0x35: {  	[sflag:s19] =	ssyncset.done $0x0  }
0x36: {  	[sflag:s19] =	ssyncadd.s32 $0xFFFFE200  }
0x37: {  	[spmem:s13] =	stream.linear.scatter [tilespmem:s18], [sflag:$0x5], $0x1E00, $0x38;
	[tilespmem:$0x1E640] =	vst v63  }
0x38: {  	_ =	swait.ge [sflag:s19], $0x1E00  }
0x39: {  	[sflag:s19] =	ssyncset.done $0x0  }
0x3a: {  	[sflag:s19] =	ssyncadd.s32 $0xFFFFE200  }
0x3b: {  	[spmem:s14] =	stream.linear.scatter [tilespmem:s18], [sflag:$0x5], $0x1E00, $0x38;
	[tilespmem:$0x1E640] =	vst v63  }
0x3c: {  	_ =	swait.ge [sflag:s19], $0x1E00  }
0x3d: {  	[sflag:s19] =	ssyncset.done $0x0  }
0x3e: {  	[sflag:s19] =	ssyncadd.s32 $0xFFFFE200  }
0x3f: {  	[bflag:$0x0] =	sbarrier.arrive $0xFFFF  }
0x40: {  	[tilespmem:s22], [sflag:$0x1] =	stream.indirect.gather [hbm4b:s15+s21], $0x50, s4, s21, $0xb8;
	[tilespmem:$0x1E640] =	vst v63  }
0x41: {  	_ = 	snop  }
0x42: {  	[tilespmem:s23], [sflag:$0x2] =	stream.indirect.gather [hbm4b:s15+s21], $0x50, s21, s21, $0xb8;
	[tilespmem:$0x1E640] =	vst v63  }
0x43: {  	_ =	swait.ge [sflag:s24], $0x1900  }
0x44: {  	[sflag:s24] =	ssyncset.done $0x0  }
0x45: {  	s2 =	simm.s32 $0x5320;
	[sflag:s24] =	ssyncadd.s32 $0xFFFFE700  }
0x46: {  	[spmem:s3] =	stream.indirect.scatter.add.f32 [tilespmem:s22], [sflag:$0x3], $0x50, s2, s21, $0xb8;
	[tilespmem:$0x1E640] =	vst v63  }
0x47: {  	_ =	swait.ge [sflag:s25], $0x1900  }
0x48: {  	[sflag:s25] =	ssyncset.done $0x0  }
0x49: {  	s1 =	simm.s32 $0xA0;
	[sflag:s25] =	ssyncadd.s32 $0xFFFFE700  }
0x4a: {  	[tilespmem:s22], [sflag:$0x1] =	stream.indirect.gather [hbm4b:s15+s21], $0x50, s1, s21, $0xb8;
	[tilespmem:$0x1E640] =	vst v63  }
0x4b: {  	_ =	swait.ge [sflag:s26], $0x1900  }
0x4c: {  	[sflag:s26] =	ssyncset.done $0x0  }
0x4d: {  	s2 =	simm.s32 $0x5370;
	[sflag:s26] =	ssyncadd.s32 $0xFFFFE700  }
0x4e: {  	[spmem:s3] =	stream.indirect.scatter.add.f32 [tilespmem:s23], [sflag:$0x4], $0x50, s2, s21, $0xb8;
	[tilespmem:$0x1E640] =	vst v63  }
0x4f: {  	_ =	swait.ge [sflag:s28], $0x1900  }
0x50: {  	[sflag:s28] =	ssyncset.done $0x0  }
0x51: {  	s0 =	simm.s32 $0x280;
	s1 =	simm.s32 $0xF0;
	[sflag:s28] =	ssyncadd.s32 $0xFFFFE700  }
.LBB2_2:
0x52: {  	[tilespmem:s23], [sflag:$0x2] =	stream.indirect.gather [hbm4b:s15+s21], $0x50, s1, s21, $0xb8;
	[tilespmem:$0x1E640] =	vst v63  }
0x53: {  	s1 =	smov.u32 s0  }
0x54: {  	p0 =	sne.s32 s0, $0x14780;
	s0 =	sadd.s32 $0x280, s0;
	_ =	swait.ge [sflag:s24], $0x1900  }
0x55: {  	s1 =	sshra.s32 s1, $0x2;
	[sflag:s24] =	ssyncset.done $0x0  }
0x56: {  	s2 =	sadd.s32 $0x5320, s1;
	[sflag:s24] =	ssyncadd.s32 $0xFFFFE700  }
0x57: {  	[spmem:s3] =	stream.indirect.scatter.add.f32 [tilespmem:s22], [sflag:$0x3], $0x50, s2, s21, $0xb8;
	[tilespmem:$0x1E640] =	vst v63  }
0x58: {  	_ =	swait.ge [sflag:s25], $0x1900  }
0x59: {  	[sflag:s25] =	ssyncset.done $0x0  }
0x5a: {  	s2 =	sadd.s32 $0xA0, s1;
	[sflag:s25] =	ssyncadd.s32 $0xFFFFE700  }
0x5b: {  	[tilespmem:s22], [sflag:$0x1] =	stream.indirect.gather [hbm4b:s15+s21], $0x50, s2, s21, $0xb8;
	[tilespmem:$0x1E640] =	vst v63  }
0x5c: {  	_ =	swait.ge [sflag:s26], $0x1900  }
0x5d: {  	[sflag:s26] =	ssyncset.done $0x0  }
.Ltmp0:
0x5e: {  	s2 =	sadd.s32 $0x5370, s1;
	[sflag:s26] =	ssyncadd.s32 $0xFFFFE700;
	(pc) =	sbr.rel @p0 .LBB2_2-.Ltmp0, $4  }
0x5f: {  	[spmem:s3] =	stream.indirect.scatter.add.f32 [tilespmem:s23], [sflag:$0x4], $0x50, s2, s21, $0xb8;
	[tilespmem:$0x1E640] =	vst v63  }
0x60: {  	_ =	swait.ge [sflag:s28], $0x1900  }
0x61: {  	[sflag:s28] =	ssyncset.done $0x0  }
0x62: {  	s1 =	sadd.s32 $0xF0, s1;
	[sflag:s28] =	ssyncadd.s32 $0xFFFFE700  }
0x63: {  	[tilespmem:s23], [sflag:$0x2] =	stream.indirect.gather [hbm4b:s15+s21], $0x50, s1, s21, $0xb8;
	[tilespmem:$0x1E640] =	vst v63  }
0x64: {  	_ =	swait.ge [sflag:s24], $0x1900  }
0x65: {  	[sflag:s24] =	ssyncset.done $0x0  }
0x66: {  	[sflag:s24] =	ssyncadd.s32 $0xFFFFE700  }
0x67: {  	[spmem:s3] =	stream.indirect.scatter.add.f32 [tilespmem:s22], [sflag:$0x3], $0x50, s29, s21, $0xb8;
	[tilespmem:$0x1E640] =	vst v63  }
0x68: {  	_ =	swait.ge [sflag:s26], $0x1900  }
0x69: {  	[sflag:s26] =	ssyncset.done $0x0  }
0x6a: {  	[sflag:s26] =	ssyncadd.s32 $0xFFFFE700  }
0x6b: {  	[spmem:s3] =	stream.indirect.scatter.add.f32 [tilespmem:s23], [sflag:$0x4], $0x50, s30, s21, $0xb8;
	[tilespmem:$0x1E640] =	vst v63  }
0x6c: {  	_ =	swait.ge [sflag:s25], $0x1900  }
0x6d: {  	[sflag:s25] =	ssyncset.done $0x0  }
0x6e: {  	[sflag:s25] =	ssyncadd.s32 $0xFFFFE700  }
0x6f: {  	s0 =	stileid.u32;
	_ =	swait.ge [sflag:s28], $0x1900  }
0x70: {  	s2 =	sshrl.u32 s7, $0x3;
	s31 =	sadd.s32 $0x1, s31;
	[sflag:s28] =	ssyncset.done $0x0  }
0x71: {  	s0 =	sshll.u32 s0, $0x6;
	p0 =	sne.s32 s31, s17;
	[sflag:s28] =	ssyncadd.s32 $0xFFFFE700  }
.Ltmp1:
0x72: {  	s0 =	sor.u32 $0x1C05, s0;
	[bflag:$0x0] =	sbarrier.arrive $0xFFFF;
	(pc) =	sbr.rel @p0 .LBB2_1-.Ltmp1, $4  }
0x73: {  	[hbm:s16], [sflag:s0] =	dma.local [spmem:s2], $0x1E00  }
0x74: {  	_ =	swait.ge [sflag:s19], $0x1E00  }
0x75: {  	[sflag:s19] =	ssyncset.done $0x0  }
0x76: {  	[sflag:s19] =	ssyncadd.s32 $0xFFFFE200  }
0x77: {  	_ =	sfence.sel $0x180000  }
0x78: {  	[bflag:$0x0] =	sbarrier.arrive $0xFFFF  }
0x79: {  	_ =	strace $0x9000004A  }
0x7a: {  	s0 =	stileid.u32;
	[bflag:$0x2] =	sbarrier.arrive $0xFFFF  }
0x7b: {  	p0 =	sne.s32 s0, $0x0;
	s0 =	rddreg [dreg:$0x3]  }
0x7c: {  	s0 =	sadd.s32 @!p0 $0x100000, s0  }
0x7d: {  	[sflag:s0] =	ssyncadd.tile.s32 @!p0 $0x1;
	_ =	shalt  }
.Lfunc_end2:
_tile_overlayer_lowered:
.L_overlay_start_2:
0x7e: {  	(tag) =	ssettag $0x2  }
0x7f: {  	s0 =	rddreg [dreg:$0x0];
	s2 =	stileid.u32  }
0x80: {  	s1 =	rddreg [dreg:$0x1];
	p0 =	sne.s32 s2, $0x0  }
0x81: {  	s3 =	rddreg [dreg:$0x2];
	[bflag:$0x3] =	sbarrier.arrive $0xFFFF;
	s2 =	simm.s32 @!p0 $0x1C05  }
0x82: {  	[timem:s3], [sflag:s2] =	dma.local @!p0 [hbm:s0], s1  }
0x83: {  	s0 =	simm.s32 @!p0 $0x5  }
0x84: {  	_ =	swait.ge @!p0 [sflag:s0], s1  }
0x85: {  	s1 =	ssub.s32 @!p0 $0x0, s1;
	[sflag:s0] =	ssyncset.done @!p0 $0x0  }
0x86: {  	[sflag:s0] =	ssyncadd.s32 @!p0 s1  }
0x87: {  	[bflag:$0x3] =	sbarrier.arrive $0xFFFF  }
0x88: {  	_ =	shalt  }

// kernel: kernel.8.cloned.1.call-start
scs
__scs_entry_jumppad:
0x0: {  	(pc) =	sbr.rel $0x88, $3  }
0x1: {  	(tag) =	ssettag $0x0;
	lr =	simm.s32 $0x1  }
0x2: {  	[smem:$0x3F83] =	sst lr;
	_ =	strace $0xD0000000  }
0x3: {  	_ = 	snop  }
0x4: {  	_ = 	snop  }
0x5: {  	_ = 	snop  }
0x6: {  	_ = 	snop  }
0x7: {  	_ = 	snop  }
__scs_overlays_trampoline_lowered:
0x8: {  	[smem:$0x3F92] =	sst s0  }
0x9: {  	[smem:$0x3F93] =	sst s1  }
0xa: {  	[smem:$0x3F94] =	sst s2  }
0xb: {  	[smem:$0x3F95] =	sst s3  }
0xc: {  	[smem:$0x3F96] =	sst s4  }
0xd: {  	[smem:$0x3F97] =	sst s5  }
0xe: {  	[smem:$0x3F98] =	sst s6  }
0xf: {  	[smem:$0x3F99] =	sst s7  }
0x10: {  	[smem:$0x3F9A] =	sst s8  }
0x11: {  	[smem:$0x3F9B] =	sst s9;
	s0 =	simm.s32 @!p0 $0x0  }
0x12: {  	s1 =	sld [smem:$0x3F81];
	s0 =	simm.s32 @p0 $0x1  }
0x13: {  	[smem:$0x3F9C] =	sst s0;
	s0 =	simm.s32 @!p1 $0x0  }
0x14: {  	s2 =	sld [smem:$0x3F80];
	s0 =	simm.s32 @p1 $0x1  }
0x15: {  	[smem:$0x3F9D] =	sst s0;
	s0 =	simm.s32 @!p2 $0x0  }
0x16: {  	s3 =	sld [smem:$0x3FDB];
	s0 =	simm.s32 @p2 $0x1  }
0x17: {  	s4 =	simm.s32 $0x1BF5;
	[smem:$0x3F9F] =	sst s0  }
0x18: {  	s0 =	sld [smem:$0x3F82];
	_ =	swait.ge [sflag:s4], $0x0  }
0x19: {  	s7 =	sld [smem:$0x3F83]  }
0x1a: {  	s8 =	sadd.s32 $0xFFFFE003, lr  }
0x1b: {  	s9 =	sadd.s32 $0xFFFFFEF7, lr;
	s5 =	simm.s32 $0xFFFFFFFF;
	p2 =	slt.u32 s8, $0xFFFFF086  }
0x1c: {  	p1 =	slt.u32 s9, $0xF7A;
	s5 =	simm.s32 @!p2 $0x0  }
0x1d: {  	s5 =	simm.s32 @p1 $0x1;
	p0 =	seq.s32 s7, s2  }
0x1e: {  	s7 =	smul.u32 @!p0 $0xF7A, s2;
	p2 =	seq.s32 @!p0 s5, $0x0  }
0x1f: {  	s9 =	smul.u32 $0xF7A, s1;
	s8 =	simm.s32 @!p0 $0x1BF5;
	p2 =	por !p2, p0  }
0x20: {  	[sflag:s8] =	ssyncset.s32 @!p0 $0xFFFFF086;
	s6 =	sadd.s32 @!p0 s3, s7;
	s7 =	simm.s32 @!p0 $0x108  }
0x21: {  	s3 =	sadd.s32 s3, s9;
	s6 =	sadd.s32 @!p0 $0x88, s6;
	s7 =	simm.s32 @p2 $0x1082  }
0x22: {  	[simem:s7], [sflag:s8] =	dma.local @!p0 [hbm:s6], $0xF7A  }
0x23: {  	s9 =	sor.u32 $0xD0000000, s2;
	s6 =	simm.s32 $0x108;
	_ =	swait.ge @!p0 [sflag:s8], $0x0  }
0x24: {  	s3 =	sadd.s32 $0x88, s3;
	s6 =	simm.s32 @!p1 $0x1082;
	[sflag:s4] =	ssyncset.s32 $0xFFFFF086  }
0x25: {  	[simem:s6], [sflag:s4] =	dma.local [hbm:s3], $0xF7A  }
0x26: {  	[smem:$0x3F83] =	sst s1;
	(tag) =	ssettag s2;
	_ =	strace s9  }
0x27: {  	s1 =	sld [smem:$0x3F93]  }
0x28: {  	s2 =	sld [smem:$0x3F94]  }
0x29: {  	s4 =	sld [smem:$0x3F96]  }
0x2a: {  	p0 =	seq.s32 s5, $0x0;
	s5 =	sld [smem:$0x3F97]  }
0x2b: {  	s6 =	sld [smem:$0x3F98]  }
0x2c: {  	s7 =	sld [smem:$0x3F99]  }
0x2d: {  	s3 =	simm.s32 $0x108;
	s8 =	sld [smem:$0x3F9A]  }
0x2e: {  	s3 =	simm.s32 @!p0 $0x1082;
	s9 =	sld [smem:$0x3F9B]  }
0x2f: {  	lr =	sadd.s32 s0, s3;
	s0 =	sld [smem:$0x3F92]  }
0x30: {  	s3 =	sld [smem:$0x3F95]  }
0x31: {  	[smem:$0x3F9E] =	sst s10  }
0x32: {  	s10 =	sld [smem:$0x3F9C];
	_ =	sdelay $0x3  }
0x33: {  	p0 =	seq.s32 s10, $0x1;
	s10 =	sld [smem:$0x3F9E];
	_ =	sdelay $0x3  }
0x34: {  	[smem:$0x3F9E] =	sst s10  }
0x35: {  	s10 =	sld [smem:$0x3F9D];
	_ =	sdelay $0x3  }
0x36: {  	p1 =	seq.s32 s10, $0x1;
	s10 =	sld [smem:$0x3F9E];
	_ =	sdelay $0x3  }
0x37: {  	[smem:$0x3F9E] =	sst s10  }
0x38: {  	s10 =	sld [smem:$0x3F9F]  }
0x39: {  	_ = 	snop;
	(pc) =	sbr.ind lr, $3  }
0x3a: {  	_ = 	snop  }
0x3b: {  	_ = 	snop  }
0x3c: {  	p2 =	seq.s32 s10, $0x1;
	s10 =	sld [smem:$0x3F9E]  }
0x3d: {  	_ =	shalt  }
0x3e: {  	_ =	shalt  }
0x3f: {  	_ =	shalt  }
0x40: {  	_ =	shalt  }
0x41: {  	_ =	shalt  }
0x42: {  	_ =	shalt  }
0x43: {  	_ =	shalt  }
0x44: {  	_ =	shalt  }
0x45: {  	_ =	shalt  }
0x46: {  	_ =	shalt  }
0x47: {  	_ =	shalt  }
0x48: {  	_ =	shalt  }
0x49: {  	_ =	shalt  }
0x4a: {  	_ =	shalt  }
0x4b: {  	_ =	shalt  }
0x4c: {  	_ =	shalt  }
0x4d: {  	_ =	shalt  }
0x4e: {  	_ =	shalt  }
0x4f: {  	_ =	shalt  }
0x50: {  	_ =	shalt  }
0x51: {  	_ =	shalt  }
0x52: {  	_ =	shalt  }
0x53: {  	_ =	shalt  }
0x54: {  	_ =	shalt  }
0x55: {  	_ =	shalt  }
0x56: {  	_ =	shalt  }
0x57: {  	_ =	shalt  }
0x58: {  	_ =	shalt  }
0x59: {  	_ =	shalt  }
0x5a: {  	_ =	shalt  }
0x5b: {  	_ =	shalt  }
0x5c: {  	_ =	shalt  }
0x5d: {  	_ =	shalt  }
0x5e: {  	_ =	shalt  }
0x5f: {  	_ =	shalt  }
0x60: {  	_ =	shalt  }
0x61: {  	_ =	shalt  }
0x62: {  	_ =	shalt  }
0x63: {  	_ =	shalt  }
0x64: {  	_ =	shalt  }
0x65: {  	_ =	shalt  }
0x66: {  	_ =	shalt  }
0x67: {  	_ =	shalt  }
0x68: {  	_ =	shalt  }
0x69: {  	_ =	shalt  }
0x6a: {  	_ =	shalt  }
0x6b: {  	_ =	shalt  }
0x6c: {  	_ =	shalt  }
0x6d: {  	_ =	shalt  }
0x6e: {  	_ =	shalt  }
0x6f: {  	_ =	shalt  }
0x70: {  	_ =	shalt  }
0x71: {  	_ =	shalt  }
0x72: {  	_ =	shalt  }
0x73: {  	_ =	shalt  }
0x74: {  	_ =	shalt  }
0x75: {  	_ =	shalt  }
0x76: {  	_ =	shalt  }
0x77: {  	_ =	shalt  }
0x78: {  	_ =	shalt  }
0x79: {  	_ =	shalt  }
0x7a: {  	_ =	shalt  }
0x7b: {  	_ =	shalt  }
0x7c: {  	_ =	shalt  }
0x7d: {  	_ =	shalt  }
0x7e: {  	_ =	shalt  }
0x7f: {  	_ =	shalt  }
0x80: {  	_ =	shalt  }
0x81: {  	_ =	shalt  }
0x82: {  	_ =	shalt  }
0x83: {  	_ =	shalt  }
0x84: {  	_ =	shalt  }
0x85: {  	_ =	shalt  }
0x86: {  	_ =	shalt  }
0x87: {  	_ =	shalt  }
.Lfunc_end0:
.L_simem_size_0:
called_computation_lowered:
.L_overlay_start_0:
0x88: {  	s2 =	sld [smem:$0x3FD9]  }
0x89: {  	s3 =	sld [smem:$0x3FFE];
	_ =	sdelay $0x1  }
0x8a: {  	s1 =	srdreg.scid  }
0x8b: {  	s0 =	sand.u32 $0x1, s1  }
0x8c: {  	s14 =	sshll.u32 s0, $0xA;
	s2 =	sadd.s32 s3, s2  }
0x8d: {  	s2 =	sadd.s32 s2, s14  }
0x8e: {  	[smem:$0x3FAA] =	sst s2  }
0x8f: {  	_ = 	snop  }
0x90: {  	s2 =	sld [smem:$0x3FD0];
	_ =	sdelay $0x2  }
0x91: {  	s15 =	simm.s32 $0xA;
	s4 =	simm.s32 $0x10  }
0x92: {  	[smem:s4], [sflag:s15] =	dma.local [hbm:s2], $0x1  }
0x93: {  	_ =	swait.eq [sflag:s15], $0x1  }
0x94: {  	[sflag:s15] =	ssyncset.done $0x0  }
0x95: {  	s16 =	sld [smem:$0x10];
	[sflag:s15] =	ssyncadd.s32 $0xFFFFFFFF  }
0x96: {  	s17 =	sld [smem:$0x12];
	(tm) =	ssettm $0x1  }
0x97: {  	s18 =	sld [smem:$0x3FFB];
	_ =	sdelay $0x3  }
0x98: {  	_ =	strace s18  }
0x99: {  	s4 =	sld [smem:$0x3FFC];
	_ =	sdelay $0x3  }
0x9a: {  	_ =	strace s4  }
0x9b: {  	s4 =	sld [smem:$0x3FFD];
	_ =	sdelay $0x3  }
0x9c: {  	_ =	strace s4  }
0x9d: {  	_ =	strace $0x8FFFFFFF  }
0x9e: {  	s19 =	sld [smem:$0x3FDB];
	_ =	sdelay $0x1  }
0x9f: {  	s5 =	simm.s32 $_scs_section_size  }
0xa0: {  	s6 =	simm.s32 $_size__tile_overlayer_lowered;
	s7 =	simm.s32 $_tile_overlayer_lowered  }
0xa1: {  	s22 =	simm.s32 $0x1BFF;
	s21 =	sshll.u32 s7, $0x1;
	s4 =	sadd.s32 s5, s19  }
0xa2: {  	s8 =	simm.s32 $0x0;
	s20 =	sshll.u32 s6, $0x1;
	s6 =	sadd.s32 s21, s4  }
0xa3: {  	[timem:s8], [sflag:s22] =	dma.local [hbm:s6], s20  }
0xa4: {  	_ =	swait.ge [sflag:s22], s20  }
0xa5: {  	s5 =	ssub.s32 $0x0, s20;
	[sflag:s22] =	ssyncset.done $0x0  }
0xa6: {  	[sflag:s22] =	ssyncadd.s32 s5;
	_ =	sdelay $0x1  }
0xa7: {  	s23 =	simm.s32 $0x1B8B  }
0xa8: {  	_ =	swait.ge [sflag:s23], $0x1  }
0xa9: {  	[sflag:s23] =	ssyncset.done $0x0  }
0xaa: {  	s25 =	simm.s32 $0x1B8E;
	s24 =	sld [smem:$0x3FFE];
	[sflag:s23] =	ssyncadd.s32 $0xFFFFFFFF  }
0xab: {  	s26 =	simm.s32 $execute0_lowered;
	[smem:$0x3FD2] =	sst s25  }
0xac: {  	s6 =	sshll.u32 s26, $0x1;
	_ =	strace $0x80000046;
	[dreg:$0x1] =	wrdreg $0xFFFFFFFF  }
0xad: {  	s28 =	simm.s32 $_size_execute0_lowered;
	s4 =	sadd.s32 s4, s6;
	[dreg:$0x0] =	wrdreg $0x0  }
0xae: {  	s6 =	sshll.u32 s28, $0x1;
	[dreg:$0x2] =	wrdreg s4  }
0xaf: {  	[dreg:$0x3] =	wrdreg s6  }
0xb0: {  	[dreg:$0x4] =	wrdreg $0xC0  }
0xb1: {  	_ =	task [dreg:s8], $0x5FFFF  }
0xb2: {  	[dreg:$0x1] =	wrdreg $0xFFFFFFFF  }
0xb3: {  	[dreg:$0x0] =	wrdreg $0x60  }
0xb4: {  	[dreg:$0x2] =	wrdreg s24  }
0xb5: {  	[dreg:$0x3] =	wrdreg s16  }
0xb6: {  	[dreg:$0x4] =	wrdreg s17  }
0xb7: {  	[dreg:$0x5] =	wrdreg $0xF6400  }
0xb8: {  	[dreg:$0x6] =	wrdreg $0x9  }
0xb9: {  	_ =	task.clear_ibuf [dreg:s8], $0x7FFFF;
	_ =	strace $0x90000046  }
0xba: {  	s29 =	simm.s32 $0x9;
	_ =	strace $0x80000048  }
0xbb: {  	_ =	swait.ge [sflag:s29], $0x1  }
0xbc: {  	[sflag:s29] =	ssyncadd.s32 $0xFFFFFFFF  }
0xbd: {  	_ =	strace $0x90000048  }
0xbe: {  	_ =	sfence  }
0xbf: {  	s30 =	sld [smem:$0x0];
	_ =	sdelay $0x2  }
0xc0: {  	s31 =	sshll.u32 s1, $0xD;
	s1 =	sshrl.u32 s1, $0x2  }
0xc1: {  	s3 =	sand.u32 $0x4000, s31;
	s1 =	sadd.s32 s1, s30  }
0xc2: {  	s0 =	sor.u32 s3, s0;
	s1 =	sshll.u32 s1, $0x11  }
0xc3: {  	s0 =	sor.u32 s1, s0  }
0xc4: {  	s0 =	sadd.s32 $0x8F2B, s0  }
0xc5: {  	[sflag:s0] =	ssyncadd.remote.s32 $0x1  }
0xc6: {  	_ =	sfence.sel $0xFFFF  }
0xc7: {  	[dreg:$0x0] =	wrdreg $0xFFFFFFFF;
	(pc) =	sbr.abs _section_cstart, $3  }
0xc8: {  	[dreg:$0x1] =	wrdreg $0xFFFFFFFF  }
0xc9: {  	_ =	task.clear_ibuf [dreg:s8], $0x2FFFF;
	_ =	strace $0x9FFFFFFF  }
0xca: {  	(tm) =	ssettm $0x7FFFFFFF  }
0xcb: {  	_ =	shalt  }
tec
execute0_lowered:
.L_overlay_start_1:
0x0: {  	(tag) =	ssettag $0x1  }
0x1: {  	s0 =	rddreg [dreg:$0x0]  }
0x2: {  	s1 =	rddreg [dreg:$0x1]  }
0x3: {  	s2 =	srdreg.scid;
	s3 =	rddreg [dreg:$0x3];
	s4 =	simm.s32 $0x0  }
0x4: {  	s24 =	stileid.u32;
	s18 =	simm.s32 $0xD840;
	s19 =	simm.s32 $0x5  }
0x5: {  	s20 =	simm.s32 $0x5320;
	s21 =	simm.s32 $0x50;
	s22 =	simm.s32 $0xA640  }
0x6: {  	s23 =	simm.s32 $0xBF40;
	s28 =	simm.s32 $0x4;
	s8 =	smul.u32 $0xF000, s24  }
0x7: {  	s29 =	simm.s32 $0xA5A0;
	s30 =	simm.s32 $0xA5F0;
	s25 =	smul.u32 $0xA64, s24  }
0x8: {  	s31 =	simm.s32 $0x0;
	s5 =	sand.u32 $0x1, s2;
	s9 =	smul.u32 $0x3C000, s24  }
0x9: {  	[smem:$0x7FF] =	sst s4;
	s24 =	simm.s32 $0x1;
	s6 =	smul.u32 $0xF0000, s5  }
0xa: {  	_ =	strace $0x80000047;
	s5 =	ssub.s32 $0x2, s5;
	s10 =	sadd.s32 s25, s0  }
0xb: {  	s11 =	sshrl.u32 s5, $0x1;
	s9 =	sshrl.u32 s9, $0x2;
	s7 =	sshrl.u32 s6, $0x3  }
0xc: {  	s6 =	sadd.s32 s8, s6;
	s17 =	ssub.s32 s5, s11;
	s5 =	sadd.s32 s1, s25  }
0xd: {  	s26 =	sadd.s32 s9, s3;
	s25 =	simm.s32 $0x3;
	s15 =	sadd.s32 s7, s0  }
0xe: {  	s6 =	sshrl.u32 s6, $0x3;
	s7 =	sadd.s32 s8, s3;
	s8 =	sadd.s32 $0x1E00, s26  }
0xf: {  	s9 =	sadd.s32 $0x3C00, s26;
	s11 =	sadd.s32 $0x7800, s26;
	s12 =	sadd.s32 $0x9600, s26  }
0x10: {  	s13 =	sadd.s32 $0xB400, s26;
	s14 =	sadd.s32 $0xD200, s26;
	s17 =	smax.u32 s17, $0x1  }
0x11: {  	s0 =	sadd.s32 s6, s0;
	s6 =	sadd.s32 $0xAA000, s10;
	s10 =	sadd.s32 $0x5A00, s26  }
0x12: {  	s15 =	sadd.s32 $0x6E000, s15;
	s26 =	simm.s32 $0x2;
	s16 =	sadd.s32 $0xB4800, s0  }
.LBB2_1:
0x13: {  	s0 =	rddreg [dreg:$0x2]  }
0x14: {  	[tilespmem:s18], [sflag:$0x5] =	stream.linear.gather [hbm4b:s0+s4], $0x1E00, $0x38;
	[tilespmem:$0x1E640] =	vst v63  }
0x15: {  	_ =	swait.ge [sflag:s19], $0x1E00  }
0x16: {  	[sflag:s19] =	ssyncset.done $0x0  }
0x17: {  	[sflag:s19] =	ssyncadd.s32 $0xFFFFE200  }
0x18: {  	[tilespmem:s4], [sflag:$0x5] =	stream.linear.gather [hbm4b:s5+s4], $0x5320, $0x38;
	[tilespmem:$0x1E640] =	vst v63  }
0x19: {  	_ =	swait.ge [sflag:s19], $0x5320  }
0x1a: {  	[sflag:s19] =	ssyncset.done $0x0  }
0x1b: {  	[sflag:s19] =	ssyncadd.s32 $0xFFFFACE0  }
0x1c: {  	[tilespmem:s20], [sflag:$0x5] =	stream.linear.gather [hbm4b:s6+s4], $0x5320, $0x38;
	[tilespmem:$0x1E640] =	vst v63  }
0x1d: {  	_ =	swait.ge [sflag:s19], $0x5320  }
0x1e: {  	[sflag:s19] =	ssyncset.done $0x0  }
0x1f: {  	[sflag:s19] =	ssyncadd.s32 $0xFFFFACE0  }
0x20: {  	[spmem:s7] =	stream.linear.scatter [tilespmem:s18], [sflag:$0x5], $0x1E00, $0x38;
	[tilespmem:$0x1E640] =	vst v63  }
0x21: {  	_ =	swait.ge [sflag:s19], $0x1E00  }
0x22: {  	[sflag:s19] =	ssyncset.done $0x0  }
0x23: {  	[sflag:s19] =	ssyncadd.s32 $0xFFFFE200  }
0x24: {  	[spmem:s8] =	stream.linear.scatter [tilespmem:s18], [sflag:$0x5], $0x1E00, $0x38;
	[tilespmem:$0x1E640] =	vst v63  }
0x25: {  	_ =	swait.ge [sflag:s19], $0x1E00  }
0x26: {  	[sflag:s19] =	ssyncset.done $0x0  }
0x27: {  	[sflag:s19] =	ssyncadd.s32 $0xFFFFE200  }
0x28: {  	[spmem:s9] =	stream.linear.scatter [tilespmem:s18], [sflag:$0x5], $0x1E00, $0x38;
	[tilespmem:$0x1E640] =	vst v63  }
0x29: {  	_ =	swait.ge [sflag:s19], $0x1E00  }
0x2a: {  	[sflag:s19] =	ssyncset.done $0x0  }
0x2b: {  	[sflag:s19] =	ssyncadd.s32 $0xFFFFE200  }
0x2c: {  	[spmem:s10] =	stream.linear.scatter [tilespmem:s18], [sflag:$0x5], $0x1E00, $0x38;
	[tilespmem:$0x1E640] =	vst v63  }
0x2d: {  	_ =	swait.ge [sflag:s19], $0x1E00  }
0x2e: {  	[sflag:s19] =	ssyncset.done $0x0  }
0x2f: {  	[sflag:s19] =	ssyncadd.s32 $0xFFFFE200  }
0x30: {  	[spmem:s11] =	stream.linear.scatter [tilespmem:s18], [sflag:$0x5], $0x1E00, $0x38;
	[tilespmem:$0x1E640] =	vst v63  }
0x31: {  	_ =	swait.ge [sflag:s19], $0x1E00  }
0x32: {  	[sflag:s19] =	ssyncset.done $0x0  }
0x33: {  	[sflag:s19] =	ssyncadd.s32 $0xFFFFE200  }
0x34: {  	[spmem:s12] =	stream.linear.scatter [tilespmem:s18], [sflag:$0x5], $0x1E00, $0x38;
	[tilespmem:$0x1E640] =	vst v63  }
0x35: {  	_ =	swait.ge [sflag:s19], $0x1E00  }
0x36: {  	[sflag:s19] =	ssyncset.done $0x0  }
0x37: {  	[sflag:s19] =	ssyncadd.s32 $0xFFFFE200  }
0x38: {  	[spmem:s13] =	stream.linear.scatter [tilespmem:s18], [sflag:$0x5], $0x1E00, $0x38;
	[tilespmem:$0x1E640] =	vst v63  }
0x39: {  	_ =	swait.ge [sflag:s19], $0x1E00  }
0x3a: {  	[sflag:s19] =	ssyncset.done $0x0  }
0x3b: {  	[sflag:s19] =	ssyncadd.s32 $0xFFFFE200  }
0x3c: {  	[spmem:s14] =	stream.linear.scatter [tilespmem:s18], [sflag:$0x5], $0x1E00, $0x38;
	[tilespmem:$0x1E640] =	vst v63  }
0x3d: {  	_ =	swait.ge [sflag:s19], $0x1E00  }
0x3e: {  	[sflag:s19] =	ssyncset.done $0x0  }
0x3f: {  	[sflag:s19] =	ssyncadd.s32 $0xFFFFE200  }
0x40: {  	[bflag:$0x0] =	sbarrier.arrive $0xFFFF  }
0x41: {  	[tilespmem:s22], [sflag:$0x1] =	stream.indirect.gather [hbm4b:s15+s21], $0x50, s4, s21, $0xb8;
	[tilespmem:$0x1E640] =	vst v63  }
0x42: {  	_ = 	snop  }
0x43: {  	[tilespmem:s23], [sflag:$0x2] =	stream.indirect.gather [hbm4b:s15+s21], $0x50, s21, s21, $0xb8;
	[tilespmem:$0x1E640] =	vst v63  }
0x44: {  	_ =	swait.ge [sflag:s24], $0x1900  }
0x45: {  	[sflag:s24] =	ssyncset.done $0x0  }
0x46: {  	s2 =	simm.s32 $0x5320;
	[sflag:s24] =	ssyncadd.s32 $0xFFFFE700  }
0x47: {  	[spmem:s3] =	stream.indirect.scatter.add.f32 [tilespmem:s22], [sflag:$0x3], $0x50, s2, s21, $0xb8;
	[tilespmem:$0x1E640] =	vst v63  }
0x48: {  	_ =	swait.ge [sflag:s25], $0x1900  }
0x49: {  	[sflag:s25] =	ssyncset.done $0x0  }
0x4a: {  	s1 =	simm.s32 $0xA0;
	[sflag:s25] =	ssyncadd.s32 $0xFFFFE700  }
0x4b: {  	[tilespmem:s22], [sflag:$0x1] =	stream.indirect.gather [hbm4b:s15+s21], $0x50, s1, s21, $0xb8;
	[tilespmem:$0x1E640] =	vst v63  }
0x4c: {  	_ =	swait.ge [sflag:s26], $0x1900  }
0x4d: {  	[sflag:s26] =	ssyncset.done $0x0  }
0x4e: {  	s2 =	simm.s32 $0x5370;
	[sflag:s26] =	ssyncadd.s32 $0xFFFFE700  }
0x4f: {  	[spmem:s3] =	stream.indirect.scatter.add.f32 [tilespmem:s23], [sflag:$0x4], $0x50, s2, s21, $0xb8;
	[tilespmem:$0x1E640] =	vst v63  }
0x50: {  	_ =	swait.ge [sflag:s28], $0x1900  }
0x51: {  	[sflag:s28] =	ssyncset.done $0x0  }
0x52: {  	s0 =	simm.s32 $0x280;
	s1 =	simm.s32 $0xF0;
	[sflag:s28] =	ssyncadd.s32 $0xFFFFE700  }
.LBB2_2:
0x53: {  	[tilespmem:s23], [sflag:$0x2] =	stream.indirect.gather [hbm4b:s15+s21], $0x50, s1, s21, $0xb8;
	[tilespmem:$0x1E640] =	vst v63  }
0x54: {  	s1 =	smov.u32 s0  }
0x55: {  	p0 =	sne.s32 s0, $0x14780;
	s0 =	sadd.s32 $0x280, s0;
	_ =	swait.ge [sflag:s24], $0x1900  }
0x56: {  	s1 =	sshra.s32 s1, $0x2;
	[sflag:s24] =	ssyncset.done $0x0  }
0x57: {  	s2 =	sadd.s32 $0x5320, s1;
	[sflag:s24] =	ssyncadd.s32 $0xFFFFE700  }
0x58: {  	[spmem:s3] =	stream.indirect.scatter.add.f32 [tilespmem:s22], [sflag:$0x3], $0x50, s2, s21, $0xb8;
	[tilespmem:$0x1E640] =	vst v63  }
0x59: {  	_ =	swait.ge [sflag:s25], $0x1900  }
0x5a: {  	[sflag:s25] =	ssyncset.done $0x0  }
0x5b: {  	s2 =	sadd.s32 $0xA0, s1;
	[sflag:s25] =	ssyncadd.s32 $0xFFFFE700  }
0x5c: {  	[tilespmem:s22], [sflag:$0x1] =	stream.indirect.gather [hbm4b:s15+s21], $0x50, s2, s21, $0xb8;
	[tilespmem:$0x1E640] =	vst v63  }
0x5d: {  	_ =	swait.ge [sflag:s26], $0x1900  }
0x5e: {  	[sflag:s26] =	ssyncset.done $0x0  }
.Ltmp0:
0x5f: {  	s2 =	sadd.s32 $0x5370, s1;
	[sflag:s26] =	ssyncadd.s32 $0xFFFFE700;
	(pc) =	sbr.rel @p0 .LBB2_2-.Ltmp0, $4  }
0x60: {  	[spmem:s3] =	stream.indirect.scatter.add.f32 [tilespmem:s23], [sflag:$0x4], $0x50, s2, s21, $0xb8;
	[tilespmem:$0x1E640] =	vst v63  }
0x61: {  	_ =	swait.ge [sflag:s28], $0x1900  }
0x62: {  	[sflag:s28] =	ssyncset.done $0x0  }
0x63: {  	s1 =	sadd.s32 $0xF0, s1;
	[sflag:s28] =	ssyncadd.s32 $0xFFFFE700  }
0x64: {  	[tilespmem:s23], [sflag:$0x2] =	stream.indirect.gather [hbm4b:s15+s21], $0x50, s1, s21, $0xb8;
	[tilespmem:$0x1E640] =	vst v63  }
0x65: {  	_ =	swait.ge [sflag:s24], $0x1900  }
0x66: {  	[sflag:s24] =	ssyncset.done $0x0  }
0x67: {  	[sflag:s24] =	ssyncadd.s32 $0xFFFFE700  }
0x68: {  	[spmem:s3] =	stream.indirect.scatter.add.f32 [tilespmem:s22], [sflag:$0x3], $0x50, s29, s21, $0xb8;
	[tilespmem:$0x1E640] =	vst v63  }
0x69: {  	_ =	swait.ge [sflag:s26], $0x1900  }
0x6a: {  	[sflag:s26] =	ssyncset.done $0x0  }
0x6b: {  	[sflag:s26] =	ssyncadd.s32 $0xFFFFE700  }
0x6c: {  	[spmem:s3] =	stream.indirect.scatter.add.f32 [tilespmem:s23], [sflag:$0x4], $0x50, s30, s21, $0xb8;
	[tilespmem:$0x1E640] =	vst v63  }
0x6d: {  	_ =	swait.ge [sflag:s25], $0x1900  }
0x6e: {  	[sflag:s25] =	ssyncset.done $0x0  }
0x6f: {  	[sflag:s25] =	ssyncadd.s32 $0xFFFFE700  }
0x70: {  	s0 =	stileid.u32;
	_ =	swait.ge [sflag:s28], $0x1900  }
0x71: {  	s2 =	sshrl.u32 s7, $0x3;
	s31 =	sadd.s32 $0x1, s31;
	[sflag:s28] =	ssyncset.done $0x0  }
0x72: {  	s0 =	sshll.u32 s0, $0x6;
	p0 =	sne.s32 s31, s17;
	[sflag:s28] =	ssyncadd.s32 $0xFFFFE700  }
.Ltmp1:
0x73: {  	s0 =	sor.u32 $0x1C05, s0;
	[bflag:$0x0] =	sbarrier.arrive $0xFFFF;
	(pc) =	sbr.rel @p0 .LBB2_1-.Ltmp1, $4  }
0x74: {  	[hbm:s16], [sflag:s0] =	dma.local [spmem:s2], $0x1E00  }
0x75: {  	_ =	swait.ge [sflag:s19], $0x1E00  }
0x76: {  	[sflag:s19] =	ssyncset.done $0x0  }
0x77: {  	[sflag:s19] =	ssyncadd.s32 $0xFFFFE200  }
0x78: {  	_ =	sfence.sel $0x180000  }
0x79: {  	[bflag:$0x0] =	sbarrier.arrive $0xFFFF  }
0x7a: {  	_ =	strace $0x90000047  }
0x7b: {  	s0 =	stileid.u32;
	[bflag:$0x2] =	sbarrier.arrive $0xFFFF  }
0x7c: {  	p0 =	sne.s32 s0, $0x0;
	s0 =	rddreg [dreg:$0x4]  }
0x7d: {  	s0 =	sadd.s32 @!p0 $0x100000, s0  }
0x7e: {  	[sflag:s0] =	ssyncadd.tile.s32 @!p0 $0x1;
	_ =	shalt  }
.Lfunc_end2:
_tile_overlayer_lowered:
.L_overlay_start_2:
0x7f: {  	(tag) =	ssettag $0x2  }
0x80: {  	s0 =	rddreg [dreg:$0x0];
	s2 =	stileid.u32  }
0x81: {  	s1 =	rddreg [dreg:$0x1];
	p0 =	sne.s32 s2, $0x0  }
0x82: {  	s3 =	rddreg [dreg:$0x2];
	[bflag:$0x3] =	sbarrier.arrive $0xFFFF;
	s2 =	simm.s32 @!p0 $0x1C05  }
0x83: {  	[timem:s3], [sflag:s2] =	dma.local @!p0 [hbm:s0], s1  }
0x84: {  	s0 =	simm.s32 @!p0 $0x5  }
0x85: {  	_ =	swait.ge @!p0 [sflag:s0], s1  }
0x86: {  	s1 =	ssub.s32 @!p0 $0x0, s1;
	[sflag:s0] =	ssyncset.done @!p0 $0x0  }
0x87: {  	[sflag:s0] =	ssyncadd.s32 @!p0 s1  }
0x88: {  	[bflag:$0x3] =	sbarrier.arrive $0xFFFF  }
0x89: {  	_ =	shalt  }

</sc_bundles>
